<compile_context>
chip_gen: v7x
topology: tpu7x:2x2x1
jax: 0.10.2.dev20260603
libtpu: 0.0.44.dev20260713+nightly
codegen_flags: <defaults>
</compile_context>

<pallas_src>
import functools

import jax
import jax.numpy as jnp
from jax import lax
from jax.experimental import pallas as pl
from jax.experimental.pallas import tpu as pltpu
from jax.experimental.pallas import tpu_sc as plsc

B = 16384
D = 32
NC = 2
NS = 16
NW = NC * NS
BPW = B // NW
CHUNK = 128
NCHUNK = BPW // CHUNK


def _body(idx_hbm, scal_hbm, table_hbm, params_hbm, out_hbm,
          idx_v, scal_v, params_v, rows_v, out_v, sem):
    wid = lax.axis_index("s") * NC + lax.axis_index("c")
    base = wid * BPW

    pltpu.sync_copy(idx_hbm.at[pl.ds(wid * NCHUNK, NCHUNK)], idx_v)
    pltpu.sync_copy(scal_hbm.at[pl.ds(wid * 3 * BPW, 3 * BPW)], scal_v)
    pltpu.sync_copy(params_hbm, params_v)

    descs = [
        pltpu.async_copy(table_hbm.at[idx_v.at[j]],
                         rows_v.at[pl.ds(j * CHUNK, CHUNK)], sem)
        for j in range(NCHUNK)
    ]

    def half(off, h):
        return params_v[pl.ds(off + 16 * h, 16)]

    wt = [half(0, h) for h in range(2)]
    ww = [half(64, h) for h in range(2)]
    ws = [half(128, h) for h in range(2)]
    p0 = [half(192, h) for h in range(2)]
    c1 = [half(32, h) + half(224, h) for h in range(2)]
    c2 = [half(96, h) + half(256, h) for h in range(2)]
    c3 = [half(160, h) + half(288, h) for h in range(2)]

    def dense_chunk(c, carry):
        r0 = c * 16
        tv = scal_v[pl.ds(r0, 16)]
        wv = scal_v[pl.ds(r0 + BPW, 16)]
        sv = scal_v[pl.ds(r0 + 2 * BPW, 16)]
        for i in range(16):
            r = r0 + i
            t = jnp.full((16,), tv[i], jnp.float32)
            wx = jnp.full((16,), wv[i], jnp.float32)
            sp = jnp.full((16,), sv[i], jnp.float32)
            for h in range(2):
                sl = pl.ds(16 * h, 16)
                out_v[r, pl.ds(D + 16 * h, 16)] = t * wt[h] + c1[h]
                out_v[r, pl.ds(2 * D + 16 * h, 16)] = wx * ww[h] + c2[h]
                out_v[r, pl.ds(3 * D + 16 * h, 16)] = sp * ws[h] + c3[h]
        return carry

    lax.fori_loop(0, BPW // 16, dense_chunk, 0)

    for d in descs:
        d.wait()

    def station_row(r, carry):
        for h in range(2):
            sl = pl.ds(16 * h, 16)
            out_v[r, pl.ds(16 * h, 16)] = rows_v[r, sl] + p0[h]
        return carry

    lax.fori_loop(0, BPW, station_row, 0)

    pltpu.sync_copy(out_v, out_hbm.at[pl.ds(base, BPW)])


@jax.jit
def _tokenize(idx2d, scal, table, params):
    mesh = plsc.VectorSubcoreMesh(core_axis_name="c", subcore_axis_name="s")
    return pl.kernel(
        _body,
        out_type=jax.ShapeDtypeStruct((B, 4 * D), jnp.float32),
        mesh=mesh,
        compiler_params=pltpu.CompilerParams(use_tc_tiling_on_sc=False),
        scratch_types=[
            pltpu.VMEM((NCHUNK, CHUNK), jnp.int32),
            pltpu.VMEM((3 * BPW,), jnp.float32),
            pltpu.VMEM((320,), jnp.float32),
            pltpu.VMEM((BPW, D), jnp.float32),
            pltpu.VMEM((BPW, 4 * D), jnp.float32),
            pltpu.SemaphoreType.DMA,
        ],
    )(idx2d, scal, table, params)


def kernel(station_ids, time_of_day, weather_index, sports_event,
           station_emb, w_time, b_time, w_weather, b_weather,
           w_sports, b_sports, pos_emb):
    idx2d = station_ids.astype(jnp.int32).reshape(B // CHUNK, CHUNK)
    scal = jnp.stack([
        time_of_day.astype(jnp.float32).reshape(NW, BPW),
        weather_index.astype(jnp.float32).reshape(NW, BPW),
        sports_event.astype(jnp.float32).reshape(NW, BPW),
    ], axis=1).reshape(-1)
    params = jnp.concatenate([
        w_time, b_time, w_weather, b_weather, w_sports, b_sports,
        pos_emb.reshape(-1),
    ])
    out = _tokenize(idx2d, scal, station_emb, params)
    return out.reshape(B, 4, D)

# --- scband reference (transcript-rebuilt; emitter-appended) ---
"""Pipeline reference for scband-feature-tokenizer-8469675507979 (READ-ONLY COPY).

The authoritative reference and input builder live on the scoring server;
editing this copy changes nothing except your own understanding.
"""

import jax, jax.numpy as jnp
import numpy as np

NUM_STATIONS = 1000000
D = 32
B = 16384


def setup_inputs(seed: int = 0) -> dict:
    key = jax.random.key(seed)
    ks = jax.random.split(key, 12)
    station_ids = jax.random.randint(ks[0], (B,), 0, NUM_STATIONS)
    time_of_day = jax.random.uniform(ks[1], (B,), dtype=jnp.float32)
    weather_index = jax.random.uniform(ks[2], (B,), dtype=jnp.float32)
    sports_event = jax.random.randint(ks[3], (B,), 0, 2)
    # learned params
    station_emb = jax.random.normal(ks[4], (NUM_STATIONS + 1, D), dtype=jnp.float32) * 0.02
    station_emb = station_emb.at[0].set(0.0)  # padding_idx=0
    w_time = jax.random.normal(ks[5], (D,), dtype=jnp.float32) * 0.02
    b_time = jnp.zeros((D,), dtype=jnp.float32)
    w_weather = jax.random.normal(ks[6], (D,), dtype=jnp.float32) * 0.02
    b_weather = jnp.zeros((D,), dtype=jnp.float32)
    w_sports = jax.random.normal(ks[7], (D,), dtype=jnp.float32) * 0.02
    b_sports = jnp.zeros((D,), dtype=jnp.float32)
    pos_emb = jax.random.normal(ks[8], (4, D), dtype=jnp.float32) * 0.02
    return {
        'station_ids': station_ids,
        'time_of_day': time_of_day,
        'weather_index': weather_index,
        'sports_event': sports_event,
        'station_emb': station_emb,
        'w_time': w_time, 'b_time': b_time,
        'w_weather': w_weather, 'b_weather': b_weather,
        'w_sports': w_sports, 'b_sports': b_sports,
        'pos_emb': pos_emb,
    }


def reference(station_ids, time_of_day, weather_index, sports_event,
              station_emb, w_time, b_time, w_weather, b_weather,
              w_sports, b_sports, pos_emb):
    # pos 0: categorical station id -> embedding gather
    t_station = jnp.take(station_emb, station_ids, axis=0)
    # pos 1-3: scalar -> Linear(1, d): x[:,None] * w + b
    t_time = time_of_day.astype(jnp.float32)[:, None] * w_time[None, :] + b_time[None, :]
    t_weather = weather_index.astype(jnp.float32)[:, None] * w_weather[None, :] + b_weather[None, :]
    t_sports = sports_event.astype(jnp.float32)[:, None] * w_sports[None, :] + b_sports[None, :]
    tokens = jnp.stack([t_station, t_time, t_weather, t_sports], axis=1)  # [B, 4, D]
    tokens = tokens + pos_emb[None, :, :]
    return tokens

if __name__ == "__main__":
    import jax
    _d = setup_inputs()
    print(jax.jit(kernel)(*tuple(_d.values())))

</pallas_src>

<mosaic_0001>
#map = affine_map<(d0, d1) -> (0, 0)>
#map1 = affine_map<(d0, d1) -> (0)>
module attributes {stable_mosaic.version = 14 : i64} {
  func.func @_body(%arg0: i32, %arg1: i32, %arg2: memref<128x128xi32, #tpu.memory_space<hbm>>, %arg3: memref<49152xf32, #tpu.memory_space<hbm>>, %arg4: memref<1000001x32xf32, #tpu.memory_space<hbm>>, %arg5: memref<320xf32, #tpu.memory_space<hbm>>, %arg6: memref<16384x128xf32, #tpu.memory_space<hbm>>, %arg7: memref<4x128xi32, #tpu.memory_space<vmem>>, %arg8: memref<1536xf32, #tpu.memory_space<vmem>>, %arg9: memref<320xf32, #tpu.memory_space<vmem>>, %arg10: memref<512x32xf32, #tpu.memory_space<vmem>>, %arg11: memref<512x128xf32, #tpu.memory_space<vmem>>, %arg12: memref<!tpu.dma_semaphore, #tpu.memory_space<semaphore_mem>>) attributes {dimension_semantics = [#tpu.dimension_semantics<core_parallel>, #tpu.dimension_semantics<subcore_parallel>], iteration_bounds = array<i64: 2, 16>, scalar_prefetch = 0 : i64, scratch_operands = 6 : i64, tpu.core_type = #tpu.core_type<sc_vector_subcore>, window_params = [{transform_indices = #map}, {transform_indices = #map1}, {transform_indices = #map}, {transform_indices = #map1}, {transform_indices = #map}]} {
    %mul3A = arith.constant 2 : i32
    %mul3A_0 = arith.muli %arg1, %mul3A : i32
    %add3A = arith.addi %mul3A_0, %arg0 : i32
    %mul3A_1 = arith.constant 512 : i32
    %mul3A_2 = arith.muli %add3A, %mul3A_1 : i32
    %mul3A_3 = arith.constant 4 : i32
    %mul3A_4 = arith.muli %add3A, %mul3A_3 : i32
    "tpu.region"() ({
      %run_scoped3A = tpu.sem_alloc : memref<!tpu.dma_semaphore, #tpu.memory_space<semaphore_mem>>
      %dma_start3A_163 = arith.constant 0 : i32
      %dma_start3A_164 = tpu.memref_slice %arg2[%mul3A_4, %dma_start3A_163] : memref<128x128xi32, #tpu.memory_space<hbm>> -> memref<4x128xi32, #tpu.memory_space<hbm>>
      %dma_start3A_165 = arith.constant 0 : i32
      %dma_start3A_166 = tpu.memref_slice %arg2[%mul3A_4, %dma_start3A_165] : memref<128x128xi32, #tpu.memory_space<hbm>> -> memref<4x128xi32, #tpu.memory_space<hbm>>
      tpu.enqueue_dma source(%dma_start3A_166 : memref<4x128xi32, #tpu.memory_space<hbm>>) target(%arg7 : memref<4x128xi32, #tpu.memory_space<vmem>>) target_semaphore(%run_scoped3A : memref<!tpu.dma_semaphore, #tpu.memory_space<semaphore_mem>>)
      %dma_wait3A_167 = arith.constant 0 : i32
      %dma_wait3A_168 = tpu.memref_slice %arg2[%mul3A_4, %dma_wait3A_167] : memref<128x128xi32, #tpu.memory_space<hbm>> -> memref<4x128xi32, #tpu.memory_space<hbm>>
      %dma_wait3A_169 = arith.constant 0 : i32
      %dma_wait3A_170 = tpu.memref_slice %arg2[%mul3A_4, %dma_wait3A_169] : memref<128x128xi32, #tpu.memory_space<hbm>> -> memref<4x128xi32, #tpu.memory_space<hbm>>
      tpu.wait_dma2 semaphore(%run_scoped3A : memref<!tpu.dma_semaphore, #tpu.memory_space<semaphore_mem>>) src(%dma_wait3A_170 : memref<4x128xi32, #tpu.memory_space<hbm>>) dst(%arg7 : memref<4x128xi32, #tpu.memory_space<vmem>>)
      tpu.yield
    }) : () -> ()
    %mul3A_5 = arith.constant 3 : i32
    %mul3A_6 = arith.muli %add3A, %mul3A_5 : i32
    %mul3A_7 = arith.constant 512 : i32
    %mul3A_8 = arith.muli %mul3A_6, %mul3A_7 : i32
    "tpu.region"() ({
      %run_scoped3A = tpu.sem_alloc : memref<!tpu.dma_semaphore, #tpu.memory_space<semaphore_mem>>
      %dma_start3A_163 = tpu.memref_slice %arg3[%mul3A_8] : memref<49152xf32, #tpu.memory_space<hbm>> -> memref<1536xf32, #tpu.memory_space<hbm>>
      %dma_start3A_164 = tpu.memref_slice %arg3[%mul3A_8] : memref<49152xf32, #tpu.memory_space<hbm>> -> memref<1536xf32, #tpu.memory_space<hbm>>
      tpu.enqueue_dma source(%dma_start3A_164 : memref<1536xf32, #tpu.memory_space<hbm>>) target(%arg8 : memref<1536xf32, #tpu.memory_space<vmem>>) target_semaphore(%run_scoped3A : memref<!tpu.dma_semaphore, #tpu.memory_space<semaphore_mem>>)
      %dma_wait3A_165 = tpu.memref_slice %arg3[%mul3A_8] : memref<49152xf32, #tpu.memory_space<hbm>> -> memref<1536xf32, #tpu.memory_space<hbm>>
      %dma_wait3A_166 = tpu.memref_slice %arg3[%mul3A_8] : memref<49152xf32, #tpu.memory_space<hbm>> -> memref<1536xf32, #tpu.memory_space<hbm>>
      tpu.wait_dma2 semaphore(%run_scoped3A : memref<!tpu.dma_semaphore, #tpu.memory_space<semaphore_mem>>) src(%dma_wait3A_166 : memref<1536xf32, #tpu.memory_space<hbm>>) dst(%arg8 : memref<1536xf32, #tpu.memory_space<vmem>>)
      tpu.yield
    }) : () -> ()
    "tpu.region"() ({
      %run_scoped3A = tpu.sem_alloc : memref<!tpu.dma_semaphore, #tpu.memory_space<semaphore_mem>>
      tpu.enqueue_dma source(%arg5 : memref<320xf32, #tpu.memory_space<hbm>>) target(%arg9 : memref<320xf32, #tpu.memory_space<vmem>>) target_semaphore(%run_scoped3A : memref<!tpu.dma_semaphore, #tpu.memory_space<semaphore_mem>>)
      tpu.wait_dma2 semaphore(%run_scoped3A : memref<!tpu.dma_semaphore, #tpu.memory_space<semaphore_mem>>) src(%arg5 : memref<320xf32, #tpu.memory_space<hbm>>) dst(%arg9 : memref<320xf32, #tpu.memory_space<vmem>>)
      tpu.yield
    }) : () -> ()
    %dma_start3A = arith.constant 0 : i32
    %dma_start3A_9 = arith.constant 0 : i32
    %dma_start3A_10 = arith.constant 0 : i32
    %dma_start3A_11 = tpu.memref_slice %arg10[%dma_start3A_9, %dma_start3A_10] : memref<512x32xf32, #tpu.memory_space<vmem>> -> memref<128x32xf32, #tpu.memory_space<vmem>>
    %dma_start3A_12 = arith.constant 0 : i32
    %dma_start3A_13 = tpu.memref_slice %arg7[%dma_start3A, %dma_start3A_12] : memref<4x128xi32, #tpu.memory_space<vmem>> -> memref<1x128xi32, #tpu.memory_space<vmem>>
    %dma_start3A_14 = tpu.memref_squeeze %dma_start3A_13 : memref<1x128xi32, #tpu.memory_space<vmem>> -> memref<128xi32, #tpu.memory_space<vmem>>
    %dma_start3A_15 = arith.constant 0 : i32
    %dma_start3A_16 = arith.constant 0 : i32
    %dma_start3A_17 = tpu.memref_slice %arg4[%dma_start3A_15, %dma_start3A_16] : memref<1000001x32xf32, #tpu.memory_space<hbm>> -> memref<1000001x32xf32, #tpu.memory_space<hbm>>
    tpu.enqueue_indirect_dma source(%dma_start3A_17 : memref<1000001x32xf32, #tpu.memory_space<hbm>>) target(%dma_start3A_11 : memref<128x32xf32, #tpu.memory_space<vmem>>) offsets(%dma_start3A_14 : memref<128xi32, #tpu.memory_space<vmem>>) semaphore(%arg12 : memref<!tpu.dma_semaphore, #tpu.memory_space<semaphore_mem>>)
    %dma_start3A_18 = arith.constant 1 : i32
    %dma_start3A_19 = arith.constant 128 : i32
    %dma_start3A_20 = arith.constant 0 : i32
    %dma_start3A_21 = tpu.memref_slice %arg10[%dma_start3A_19, %dma_start3A_20] : memref<512x32xf32, #tpu.memory_space<vmem>> -> memref<128x32xf32, #tpu.memory_space<vmem>>
    %dma_start3A_22 = arith.constant 0 : i32
    %dma_start3A_23 = tpu.memref_slice %arg7[%dma_start3A_18, %dma_start3A_22] : memref<4x128xi32, #tpu.memory_space<vmem>> -> memref<1x128xi32, #tpu.memory_space<vmem>>
    %dma_start3A_24 = tpu.memref_squeeze %dma_start3A_23 : memref<1x128xi32, #tpu.memory_space<vmem>> -> memref<128xi32, #tpu.memory_space<vmem>>
    %dma_start3A_25 = arith.constant 0 : i32
    %dma_start3A_26 = arith.constant 0 : i32
    %dma_start3A_27 = tpu.memref_slice %arg4[%dma_start3A_25, %dma_start3A_26] : memref<1000001x32xf32, #tpu.memory_space<hbm>> -> memref<1000001x32xf32, #tpu.memory_space<hbm>>
    tpu.enqueue_indirect_dma source(%dma_start3A_27 : memref<1000001x32xf32, #tpu.memory_space<hbm>>) target(%dma_start3A_21 : memref<128x32xf32, #tpu.memory_space<vmem>>) offsets(%dma_start3A_24 : memref<128xi32, #tpu.memory_space<vmem>>) semaphore(%arg12 : memref<!tpu.dma_semaphore, #tpu.memory_space<semaphore_mem>>)
    %dma_start3A_28 = arith.constant 2 : i32
    %dma_start3A_29 = arith.constant 256 : i32
    %dma_start3A_30 = arith.constant 0 : i32
    %dma_start3A_31 = tpu.memref_slice %arg10[%dma_start3A_29, %dma_start3A_30] : memref<512x32xf32, #tpu.memory_space<vmem>> -> memref<128x32xf32, #tpu.memory_space<vmem>>
    %dma_start3A_32 = arith.constant 0 : i32
    %dma_start3A_33 = tpu.memref_slice %arg7[%dma_start3A_28, %dma_start3A_32] : memref<4x128xi32, #tpu.memory_space<vmem>> -> memref<1x128xi32, #tpu.memory_space<vmem>>
    %dma_start3A_34 = tpu.memref_squeeze %dma_start3A_33 : memref<1x128xi32, #tpu.memory_space<vmem>> -> memref<128xi32, #tpu.memory_space<vmem>>
    %dma_start3A_35 = arith.constant 0 : i32
    %dma_start3A_36 = arith.constant 0 : i32
    %dma_start3A_37 = tpu.memref_slice %arg4[%dma_start3A_35, %dma_start3A_36] : memref<1000001x32xf32, #tpu.memory_space<hbm>> -> memref<1000001x32xf32, #tpu.memory_space<hbm>>
    tpu.enqueue_indirect_dma source(%dma_start3A_37 : memref<1000001x32xf32, #tpu.memory_space<hbm>>) target(%dma_start3A_31 : memref<128x32xf32, #tpu.memory_space<vmem>>) offsets(%dma_start3A_34 : memref<128xi32, #tpu.memory_space<vmem>>) semaphore(%arg12 : memref<!tpu.dma_semaphore, #tpu.memory_space<semaphore_mem>>)
    %dma_start3A_38 = arith.constant 3 : i32
    %dma_start3A_39 = arith.constant 384 : i32
    %dma_start3A_40 = arith.constant 0 : i32
    %dma_start3A_41 = tpu.memref_slice %arg10[%dma_start3A_39, %dma_start3A_40] : memref<512x32xf32, #tpu.memory_space<vmem>> -> memref<128x32xf32, #tpu.memory_space<vmem>>
    %dma_start3A_42 = arith.constant 0 : i32
    %dma_start3A_43 = tpu.memref_slice %arg7[%dma_start3A_38, %dma_start3A_42] : memref<4x128xi32, #tpu.memory_space<vmem>> -> memref<1x128xi32, #tpu.memory_space<vmem>>
    %dma_start3A_44 = tpu.memref_squeeze %dma_start3A_43 : memref<1x128xi32, #tpu.memory_space<vmem>> -> memref<128xi32, #tpu.memory_space<vmem>>
    %dma_start3A_45 = arith.constant 0 : i32
    %dma_start3A_46 = arith.constant 0 : i32
    %dma_start3A_47 = tpu.memref_slice %arg4[%dma_start3A_45, %dma_start3A_46] : memref<1000001x32xf32, #tpu.memory_space<hbm>> -> memref<1000001x32xf32, #tpu.memory_space<hbm>>
    tpu.enqueue_indirect_dma source(%dma_start3A_47 : memref<1000001x32xf32, #tpu.memory_space<hbm>>) target(%dma_start3A_41 : memref<128x32xf32, #tpu.memory_space<vmem>>) offsets(%dma_start3A_44 : memref<128xi32, #tpu.memory_space<vmem>>) semaphore(%arg12 : memref<!tpu.dma_semaphore, #tpu.memory_space<semaphore_mem>>)
    %get3A = arith.constant 0 : index
    %get3A_48 = tpu.vector_load %arg9[%get3A] {strides = array<i32>} : memref<320xf32, #tpu.memory_space<vmem>>, vector<16xf32>,
    %get3A_49 = vector.shape_cast %get3A_48 : vector<16xf32> to vector<16xf32>
    %get3A_50 = arith.constant 16 : index
    %get3A_51 = tpu.vector_load %arg9[%get3A_50] {strides = array<i32>} : memref<320xf32, #tpu.memory_space<vmem>>, vector<16xf32>,
    %get3A_52 = vector.shape_cast %get3A_51 : vector<16xf32> to vector<16xf32>
    %get3A_53 = arith.constant 64 : index
    %get3A_54 = tpu.vector_load %arg9[%get3A_53] {strides = array<i32>} : memref<320xf32, #tpu.memory_space<vmem>>, vector<16xf32>,
    %get3A_55 = vector.shape_cast %get3A_54 : vector<16xf32> to vector<16xf32>
    %get3A_56 = arith.constant 80 : index
    %get3A_57 = tpu.vector_load %arg9[%get3A_56] {strides = array<i32>} : memref<320xf32, #tpu.memory_space<vmem>>, vector<16xf32>,
    %get3A_58 = vector.shape_cast %get3A_57 : vector<16xf32> to vector<16xf32>
    %get3A_59 = arith.constant 128 : index
    %get3A_60 = tpu.vector_load %arg9[%get3A_59] {strides = array<i32>} : memref<320xf32, #tpu.memory_space<vmem>>, vector<16xf32>,
    %get3A_61 = vector.shape_cast %get3A_60 : vector<16xf32> to vector<16xf32>
    %get3A_62 = arith.constant 144 : index
    %get3A_63 = tpu.vector_load %arg9[%get3A_62] {strides = array<i32>} : memref<320xf32, #tpu.memory_space<vmem>>, vector<16xf32>,
    %get3A_64 = vector.shape_cast %get3A_63 : vector<16xf32> to vector<16xf32>
    %get3A_65 = arith.constant 192 : index
    %get3A_66 = tpu.vector_load %arg9[%get3A_65] {strides = array<i32>} : memref<320xf32, #tpu.memory_space<vmem>>, vector<16xf32>,
    %get3A_67 = vector.shape_cast %get3A_66 : vector<16xf32> to vector<16xf32>
    %get3A_68 = arith.constant 208 : index
    %get3A_69 = tpu.vector_load %arg9[%get3A_68] {strides = array<i32>} : memref<320xf32, #tpu.memory_space<vmem>>, vector<16xf32>,
    %get3A_70 = vector.shape_cast %get3A_69 : vector<16xf32> to vector<16xf32>
    %get3A_71 = arith.constant 32 : index
    %get3A_72 = tpu.vector_load %arg9[%get3A_71] {strides = array<i32>} : memref<320xf32, #tpu.memory_space<vmem>>, vector<16xf32>,
    %get3A_73 = vector.shape_cast %get3A_72 : vector<16xf32> to vector<16xf32>
    %get3A_74 = arith.constant 224 : index
    %get3A_75 = tpu.vector_load %arg9[%get3A_74] {strides = array<i32>} : memref<320xf32, #tpu.memory_space<vmem>>, vector<16xf32>,
    %get3A_76 = vector.shape_cast %get3A_75 : vector<16xf32> to vector<16xf32>
    %add3A_77 = arith.addf %get3A_73, %get3A_76 : vector<16xf32>
    %get3A_78 = arith.constant 48 : index
    %get3A_79 = tpu.vector_load %arg9[%get3A_78] {strides = array<i32>} : memref<320xf32, #tpu.memory_space<vmem>>, vector<16xf32>,
    %get3A_80 = vector.shape_cast %get3A_79 : vector<16xf32> to vector<16xf32>
    %get3A_81 = arith.constant 240 : index
    %get3A_82 = tpu.vector_load %arg9[%get3A_81] {strides = array<i32>} : memref<320xf32, #tpu.memory_space<vmem>>, vector<16xf32>,
    %get3A_83 = vector.shape_cast %get3A_82 : vector<16xf32> to vector<16xf32>
    %add3A_84 = arith.addf %get3A_80, %get3A_83 : vector<16xf32>
    %get3A_85 = arith.constant 96 : index
    %get3A_86 = tpu.vector_load %arg9[%get3A_85] {strides = array<i32>} : memref<320xf32, #tpu.memory_space<vmem>>, vector<16xf32>,
    %get3A_87 = vector.shape_cast %get3A_86 : vector<16xf32> to vector<16xf32>
    %get3A_88 = arith.constant 256 : index
    %get3A_89 = tpu.vector_load %arg9[%get3A_88] {strides = array<i32>} : memref<320xf32, #tpu.memory_space<vmem>>, vector<16xf32>,
    %get3A_90 = vector.shape_cast %get3A_89 : vector<16xf32> to vector<16xf32>
    %add3A_91 = arith.addf %get3A_87, %get3A_90 : vector<16xf32>
    %get3A_92 = arith.constant 112 : index
    %get3A_93 = tpu.vector_load %arg9[%get3A_92] {strides = array<i32>} : memref<320xf32, #tpu.memory_space<vmem>>, vector<16xf32>,
    %get3A_94 = vector.shape_cast %get3A_93 : vector<16xf32> to vector<16xf32>
    %get3A_95 = arith.constant 272 : index
    %get3A_96 = tpu.vector_load %arg9[%get3A_95] {strides = array<i32>} : memref<320xf32, #tpu.memory_space<vmem>>, vector<16xf32>,
    %get3A_97 = vector.shape_cast %get3A_96 : vector<16xf32> to vector<16xf32>
    %add3A_98 = arith.addf %get3A_94, %get3A_97 : vector<16xf32>
    %get3A_99 = arith.constant 160 : index
    %get3A_100 = tpu.vector_load %arg9[%get3A_99] {strides = array<i32>} : memref<320xf32, #tpu.memory_space<vmem>>, vector<16xf32>,
    %get3A_101 = vector.shape_cast %get3A_100 : vector<16xf32> to vector<16xf32>
    %get3A_102 = arith.constant 288 : index
    %get3A_103 = tpu.vector_load %arg9[%get3A_102] {strides = array<i32>} : memref<320xf32, #tpu.memory_space<vmem>>, vector<16xf32>,
    %get3A_104 = vector.shape_cast %get3A_103 : vector<16xf32> to vector<16xf32>
    %add3A_105 = arith.addf %get3A_101, %get3A_104 : vector<16xf32>
    %get3A_106 = arith.constant 176 : index
    %get3A_107 = tpu.vector_load %arg9[%get3A_106] {strides = array<i32>} : memref<320xf32, #tpu.memory_space<vmem>>, vector<16xf32>,
    %get3A_108 = vector.shape_cast %get3A_107 : vector<16xf32> to vector<16xf32>
    %get3A_109 = arith.constant 304 : index
    %get3A_110 = tpu.vector_load %arg9[%get3A_109] {strides = array<i32>} : memref<320xf32, #tpu.memory_space<vmem>>, vector<16xf32>,
    %get3A_111 = vector.shape_cast %get3A_110 : vector<16xf32> to vector<16xf32>
    %add3A_112 = arith.addf %get3A_108, %get3A_111 : vector<16xf32>
    %scan3A = arith.constant 0 : i32
    %scan3A_113 = arith.constant 0 : i32
    %scan3A_114 = arith.constant 32 : i32
    %scan3A_115 = arith.addi %scan3A_113, %scan3A_114 : i32
    %scan3A_116 = arith.constant 1 : i32
    scf.for %scan3A_163 = %scan3A_113 to %scan3A_115 step %scan3A_116  : i32 {
      %mul3A_164 = arith.constant 16 : i32
      %mul3A_165 = arith.muli %scan3A_163, %mul3A_164 : i32
      %get3A_166 = arith.index_cast %mul3A_165 : i32 to index
      %get3A_167 = tpu.vector_load %arg8[%get3A_166] {strides = array<i32>} : memref<1536xf32, #tpu.memory_space<vmem>>, vector<16xf32>,
      %get3A_168 = vector.shape_cast %get3A_167 : vector<16xf32> to vector<16xf32>
      %add3A_169 = arith.constant 512 : i32
      %add3A_170 = arith.addi %mul3A_165, %add3A_169 : i32
      %get3A_171 = arith.index_cast %add3A_170 : i32 to index
      %get3A_172 = tpu.vector_load %arg8[%get3A_171] {strides = array<i32>} : memref<1536xf32, #tpu.memory_space<vmem>>, vector<16xf32>,
      %get3A_173 = vector.shape_cast %get3A_172 : vector<16xf32> to vector<16xf32>
      %add3A_174 = arith.constant 1024 : i32
      %add3A_175 = arith.addi %mul3A_165, %add3A_174 : i32
      %get3A_176 = arith.index_cast %add3A_175 : i32 to index
      %get3A_177 = tpu.vector_load %arg8[%get3A_176] {strides = array<i32>} : memref<1536xf32, #tpu.memory_space<vmem>>, vector<16xf32>,
      %get3A_178 = vector.shape_cast %get3A_177 : vector<16xf32> to vector<16xf32>
      %add3A_179 = arith.constant 0 : i32
      %add3A_180 = arith.addi %mul3A_165, %add3A_179 : i32
      %slice3A = vector.extract_strided_slice %get3A_168 {offsets = [0], sizes = [1], strides = [1]} : vector<16xf32> to vector<1xf32>
      %squeeze3A = vector.extract %slice3A[0] : f32 from vector<1xf32>
      %broadcast_in_dim3A = vector.broadcast %squeeze3A : f32 to vector<16xf32>
      %slice3A_181 = vector.extract_strided_slice %get3A_173 {offsets = [0], sizes = [1], strides = [1]} : vector<16xf32> to vector<1xf32>
      %squeeze3A_182 = vector.extract %slice3A_181[0] : f32 from vector<1xf32>
      %broadcast_in_dim3A_183 = vector.broadcast %squeeze3A_182 : f32 to vector<16xf32>
      %slice3A_184 = vector.extract_strided_slice %get3A_178 {offsets = [0], sizes = [1], strides = [1]} : vector<16xf32> to vector<1xf32>
      %squeeze3A_185 = vector.extract %slice3A_184[0] : f32 from vector<1xf32>
      %broadcast_in_dim3A_186 = vector.broadcast %squeeze3A_185 : f32 to vector<16xf32>
      %mul3A_187 = arith.mulf %broadcast_in_dim3A, %get3A_49 : vector<16xf32>
      %add3A_188 = arith.addf %mul3A_187, %add3A_77 : vector<16xf32>
      %swap3A = arith.index_cast %add3A_180 : i32 to index
      %swap3A_189 = arith.constant 32 : index
      %swap3A_190 = tpu.vector_load %arg11[%swap3A, %swap3A_189] {strides = array<i32>} : memref<512x128xf32, #tpu.memory_space<vmem>>, vector<1x16xf32>,
      %swap3A_191 = vector.shape_cast %swap3A_190 : vector<1x16xf32> to vector<16xf32>
      %swap3A_192 = vector.shape_cast %add3A_188 : vector<16xf32> to vector<1x16xf32>
      tpu.vector_store %arg11[%swap3A, %swap3A_189], %swap3A_192 {strides = array<i32>} : memref<512x128xf32, #tpu.memory_space<vmem>>, vector<1x16xf32>,
      %mul3A_193 = arith.mulf %broadcast_in_dim3A_183, %get3A_55 : vector<16xf32>
      %add3A_194 = arith.addf %mul3A_193, %add3A_91 : vector<16xf32>
      %swap3A_195 = arith.index_cast %add3A_180 : i32 to index
      %swap3A_196 = arith.constant 64 : index
      %swap3A_197 = tpu.vector_load %arg11[%swap3A_195, %swap3A_196] {strides = array<i32>} : memref<512x128xf32, #tpu.memory_space<vmem>>, vector<1x16xf32>,
      %swap3A_198 = vector.shape_cast %swap3A_197 : vector<1x16xf32> to vector<16xf32>
      %swap3A_199 = vector.shape_cast %add3A_194 : vector<16xf32> to vector<1x16xf32>
      tpu.vector_store %arg11[%swap3A_195, %swap3A_196], %swap3A_199 {strides = array<i32>} : memref<512x128xf32, #tpu.memory_space<vmem>>, vector<1x16xf32>,
      %mul3A_200 = arith.mulf %broadcast_in_dim3A_186, %get3A_61 : vector<16xf32>
      %add3A_201 = arith.addf %mul3A_200, %add3A_105 : vector<16xf32>
      %swap3A_202 = arith.index_cast %add3A_180 : i32 to index
      %swap3A_203 = arith.constant 96 : index
      %swap3A_204 = tpu.vector_load %arg11[%swap3A_202, %swap3A_203] {strides = array<i32>} : memref<512x128xf32, #tpu.memory_space<vmem>>, vector<1x16xf32>,
      %swap3A_205 = vector.shape_cast %swap3A_204 : vector<1x16xf32> to vector<16xf32>
      %swap3A_206 = vector.shape_cast %add3A_201 : vector<16xf32> to vector<1x16xf32>
      tpu.vector_store %arg11[%swap3A_202, %swap3A_203], %swap3A_206 {strides = array<i32>} : memref<512x128xf32, #tpu.memory_space<vmem>>, vector<1x16xf32>,
      %mul3A_207 = arith.mulf %broadcast_in_dim3A, %get3A_52 : vector<16xf32>
      %add3A_208 = arith.addf %mul3A_207, %add3A_84 : vector<16xf32>
      %swap3A_209 = arith.index_cast %add3A_180 : i32 to index
      %swap3A_210 = arith.constant 48 : index
      %swap3A_211 = tpu.vector_load %arg11[%swap3A_209, %swap3A_210] {strides = array<i32>} : memref<512x128xf32, #tpu.memory_space<vmem>>, vector<1x16xf32>,
      %swap3A_212 = vector.shape_cast %swap3A_211 : vector<1x16xf32> to vector<16xf32>
      %swap3A_213 = vector.shape_cast %add3A_208 : vector<16xf32> to vector<1x16xf32>
      tpu.vector_store %arg11[%swap3A_209, %swap3A_210], %swap3A_213 {strides = array<i32>} : memref<512x128xf32, #tpu.memory_space<vmem>>, vector<1x16xf32>,
      %mul3A_214 = arith.mulf %broadcast_in_dim3A_183, %get3A_58 : vector<16xf32>
      %add3A_215 = arith.addf %mul3A_214, %add3A_98 : vector<16xf32>
      %swap3A_216 = arith.index_cast %add3A_180 : i32 to index
      %swap3A_217 = arith.constant 80 : index
      %swap3A_218 = tpu.vector_load %arg11[%swap3A_216, %swap3A_217] {strides = array<i32>} : memref<512x128xf32, #tpu.memory_space<vmem>>, vector<1x16xf32>,
      %swap3A_219 = vector.shape_cast %swap3A_218 : vector<1x16xf32> to vector<16xf32>
      %swap3A_220 = vector.shape_cast %add3A_215 : vector<16xf32> to vector<1x16xf32>
      tpu.vector_store %arg11[%swap3A_216, %swap3A_217], %swap3A_220 {strides = array<i32>} : memref<512x128xf32, #tpu.memory_space<vmem>>, vector<1x16xf32>,
      %mul3A_221 = arith.mulf %broadcast_in_dim3A_186, %get3A_64 : vector<16xf32>
      %add3A_222 = arith.addf %mul3A_221, %add3A_112 : vector<16xf32>
      %swap3A_223 = arith.index_cast %add3A_180 : i32 to index
      %swap3A_224 = arith.constant 112 : index
      %swap3A_225 = tpu.vector_load %arg11[%swap3A_223, %swap3A_224] {strides = array<i32>} : memref<512x128xf32, #tpu.memory_space<vmem>>, vector<1x16xf32>,
      %swap3A_226 = vector.shape_cast %swap3A_225 : vector<1x16xf32> to vector<16xf32>
      %swap3A_227 = vector.shape_cast %add3A_222 : vector<16xf32> to vector<1x16xf32>
      tpu.vector_store %arg11[%swap3A_223, %swap3A_224], %swap3A_227 {strides = array<i32>} : memref<512x128xf32, #tpu.memory_space<vmem>>, vector<1x16xf32>,
      %add3A_228 = arith.constant 1 : i32
      %add3A_229 = arith.addi %mul3A_165, %add3A_228 : i32
      %slice3A_230 = vector.extract_strided_slice %get3A_168 {offsets = [1], sizes = [1], strides = [1]} : vector<16xf32> to vector<1xf32>
      %squeeze3A_231 = vector.extract %slice3A_230[0] : f32 from vector<1xf32>
      %broadcast_in_dim3A_232 = vector.broadcast %squeeze3A_231 : f32 to vector<16xf32>
      %slice3A_233 = vector.extract_strided_slice %get3A_173 {offsets = [1], sizes = [1], strides = [1]} : vector<16xf32> to vector<1xf32>
      %squeeze3A_234 = vector.extract %slice3A_233[0] : f32 from vector<1xf32>
      %broadcast_in_dim3A_235 = vector.broadcast %squeeze3A_234 : f32 to vector<16xf32>
      %slice3A_236 = vector.extract_strided_slice %get3A_178 {offsets = [1], sizes = [1], strides = [1]} : vector<16xf32> to vector<1xf32>
      %squeeze3A_237 = vector.extract %slice3A_236[0] : f32 from vector<1xf32>
      %broadcast_in_dim3A_238 = vector.broadcast %squeeze3A_237 : f32 to vector<16xf32>
      %mul3A_239 = arith.mulf %broadcast_in_dim3A_232, %get3A_49 : vector<16xf32>
      %add3A_240 = arith.addf %mul3A_239, %add3A_77 : vector<16xf32>
      %swap3A_241 = arith.index_cast %add3A_229 : i32 to index
      %swap3A_242 = arith.constant 32 : index
      %swap3A_243 = tpu.vector_load %arg11[%swap3A_241, %swap3A_242] {strides = array<i32>} : memref<512x128xf32, #tpu.memory_space<vmem>>, vector<1x16xf32>,
      %swap3A_244 = vector.shape_cast %swap3A_243 : vector<1x16xf32> to vector<16xf32>
      %swap3A_245 = vector.shape_cast %add3A_240 : vector<16xf32> to vector<1x16xf32>
      tpu.vector_store %arg11[%swap3A_241, %swap3A_242], %swap3A_245 {strides = array<i32>} : memref<512x128xf32, #tpu.memory_space<vmem>>, vector<1x16xf32>,
      %mul3A_246 = arith.mulf %broadcast_in_dim3A_235, %get3A_55 : vector<16xf32>
      %add3A_247 = arith.addf %mul3A_246, %add3A_91 : vector<16xf32>
      %swap3A_248 = arith.index_cast %add3A_229 : i32 to index
      %swap3A_249 = arith.constant 64 : index
      %swap3A_250 = tpu.vector_load %arg11[%swap3A_248, %swap3A_249] {strides = array<i32>} : memref<512x128xf32, #tpu.memory_space<vmem>>, vector<1x16xf32>,
      %swap3A_251 = vector.shape_cast %swap3A_250 : vector<1x16xf32> to vector<16xf32>
      %swap3A_252 = vector.shape_cast %add3A_247 : vector<16xf32> to vector<1x16xf32>
      tpu.vector_store %arg11[%swap3A_248, %swap3A_249], %swap3A_252 {strides = array<i32>} : memref<512x128xf32, #tpu.memory_space<vmem>>, vector<1x16xf32>,
      %mul3A_253 = arith.mulf %broadcast_in_dim3A_238, %get3A_61 : vector<16xf32>
      %add3A_254 = arith.addf %mul3A_253, %add3A_105 : vector<16xf32>
      %swap3A_255 = arith.index_cast %add3A_229 : i32 to index
      %swap3A_256 = arith.constant 96 : index
      %swap3A_257 = tpu.vector_load %arg11[%swap3A_255, %swap3A_256] {strides = array<i32>} : memref<512x128xf32, #tpu.memory_space<vmem>>, vector<1x16xf32>,
      %swap3A_258 = vector.shape_cast %swap3A_257 : vector<1x16xf32> to vector<16xf32>
      %swap3A_259 = vector.shape_cast %add3A_254 : vector<16xf32> to vector<1x16xf32>
      tpu.vector_store %arg11[%swap3A_255, %swap3A_256], %swap3A_259 {strides = array<i32>} : memref<512x128xf32, #tpu.memory_space<vmem>>, vector<1x16xf32>,
      %mul3A_260 = arith.mulf %broadcast_in_dim3A_232, %get3A_52 : vector<16xf32>
      %add3A_261 = arith.addf %mul3A_260, %add3A_84 : vector<16xf32>
      %swap3A_262 = arith.index_cast %add3A_229 : i32 to index
      %swap3A_263 = arith.constant 48 : index
      %swap3A_264 = tpu.vector_load %arg11[%swap3A_262, %swap3A_263] {strides = array<i32>} : memref<512x128xf32, #tpu.memory_space<vmem>>, vector<1x16xf32>,
      %swap3A_265 = vector.shape_cast %swap3A_264 : vector<1x16xf32> to vector<16xf32>
      %swap3A_266 = vector.shape_cast %add3A_261 : vector<16xf32> to vector<1x16xf32>
      tpu.vector_store %arg11[%swap3A_262, %swap3A_263], %swap3A_266 {strides = array<i32>} : memref<512x128xf32, #tpu.memory_space<vmem>>, vector<1x16xf32>,
      %mul3A_267 = arith.mulf %broadcast_in_dim3A_235, %get3A_58 : vector<16xf32>
      %add3A_268 = arith.addf %mul3A_267, %add3A_98 : vector<16xf32>
      %swap3A_269 = arith.index_cast %add3A_229 : i32 to index
      %swap3A_270 = arith.constant 80 : index
      %swap3A_271 = tpu.vector_load %arg11[%swap3A_269, %swap3A_270] {strides = array<i32>} : memref<512x128xf32, #tpu.memory_space<vmem>>, vector<1x16xf32>,
      %swap3A_272 = vector.shape_cast %swap3A_271 : vector<1x16xf32> to vector<16xf32>
      %swap3A_273 = vector.shape_cast %add3A_268 : vector<16xf32> to vector<1x16xf32>
      tpu.vector_store %arg11[%swap3A_269, %swap3A_270], %swap3A_273 {strides = array<i32>} : memref<512x128xf32, #tpu.memory_space<vmem>>, vector<1x16xf32>,
      %mul3A_274 = arith.mulf %broadcast_in_dim3A_238, %get3A_64 : vector<16xf32>
      %add3A_275 = arith.addf %mul3A_274, %add3A_112 : vector<16xf32>
      %swap3A_276 = arith.index_cast %add3A_229 : i32 to index
      %swap3A_277 = arith.constant 112 : index
      %swap3A_278 = tpu.vector_load %arg11[%swap3A_276, %swap3A_277] {strides = array<i32>} : memref<512x128xf32, #tpu.memory_space<vmem>>, vector<1x16xf32>,
      %swap3A_279 = vector.shape_cast %swap3A_278 : vector<1x16xf32> to vector<16xf32>
      %swap3A_280 = vector.shape_cast %add3A_275 : vector<16xf32> to vector<1x16xf32>
      tpu.vector_store %arg11[%swap3A_276, %swap3A_277], %swap3A_280 {strides = array<i32>} : memref<512x128xf32, #tpu.memory_space<vmem>>, vector<1x16xf32>,
      %add3A_281 = arith.constant 2 : i32
      %add3A_282 = arith.addi %mul3A_165, %add3A_281 : i32
      %slice3A_283 = vector.extract_strided_slice %get3A_168 {offsets = [2], sizes = [1], strides = [1]} : vector<16xf32> to vector<1xf32>
      %squeeze3A_284 = vector.extract %slice3A_283[0] : f32 from vector<1xf32>
      %broadcast_in_dim3A_285 = vector.broadcast %squeeze3A_284 : f32 to vector<16xf32>
      %slice3A_286 = vector.extract_strided_slice %get3A_173 {offsets = [2], sizes = [1], strides = [1]} : vector<16xf32> to vector<1xf32>
      %squeeze3A_287 = vector.extract %slice3A_286[0] : f32 from vector<1xf32>
      %broadcast_in_dim3A_288 = vector.broadcast %squeeze3A_287 : f32 to vector<16xf32>
      %slice3A_289 = vector.extract_strided_slice %get3A_178 {offsets = [2], sizes = [1], strides = [1]} : vector<16xf32> to vector<1xf32>
      %squeeze3A_290 = vector.extract %slice3A_289[0] : f32 from vector<1xf32>
      %broadcast_in_dim3A_291 = vector.broadcast %squeeze3A_290 : f32 to vector<16xf32>
      %mul3A_292 = arith.mulf %broadcast_in_dim3A_285, %get3A_49 : vector<16xf32>
      %add3A_293 = arith.addf %mul3A_292, %add3A_77 : vector<16xf32>
      %swap3A_294 = arith.index_cast %add3A_282 : i32 to index
      %swap3A_295 = arith.constant 32 : index
      %swap3A_296 = tpu.vector_load %arg11[%swap3A_294, %swap3A_295] {strides = array<i32>} : memref<512x128xf32, #tpu.memory_space<vmem>>, vector<1x16xf32>,
      %swap3A_297 = vector.shape_cast %swap3A_296 : vector<1x16xf32> to vector<16xf32>
      %swap3A_298 = vector.shape_cast %add3A_293 : vector<16xf32> to vector<1x16xf32>
      tpu.vector_store %arg11[%swap3A_294, %swap3A_295], %swap3A_298 {strides = array<i32>} : memref<512x128xf32, #tpu.memory_space<vmem>>, vector<1x16xf32>,
      %mul3A_299 = arith.mulf %broadcast_in_dim3A_288, %get3A_55 : vector<16xf32>
      %add3A_300 = arith.addf %mul3A_299, %add3A_91 : vector<16xf32>
      %swap3A_301 = arith.index_cast %add3A_282 : i32 to index
      %swap3A_302 = arith.constant 64 : index
      %swap3A_303 = tpu.vector_load %arg11[%swap3A_301, %swap3A_302] {strides = array<i32>} : memref<512x128xf32, #tpu.memory_space<vmem>>, vector<1x16xf32>,
      %swap3A_304 = vector.shape_cast %swap3A_303 : vector<1x16xf32> to vector<16xf32>
      %swap3A_305 = vector.shape_cast %add3A_300 : vector<16xf32> to vector<1x16xf32>
      tpu.vector_store %arg11[%swap3A_301, %swap3A_302], %swap3A_305 {strides = array<i32>} : memref<512x128xf32, #tpu.memory_space<vmem>>, vector<1x16xf32>,
      %mul3A_306 = arith.mulf %broadcast_in_dim3A_291, %get3A_61 : vector<16xf32>
      %add3A_307 = arith.addf %mul3A_306, %add3A_105 : vector<16xf32>
      %swap3A_308 = arith.index_cast %add3A_282 : i32 to index
      %swap3A_309 = arith.constant 96 : index
      %swap3A_310 = tpu.vector_load %arg11[%swap3A_308, %swap3A_309] {strides = array<i32>} : memref<512x128xf32, #tpu.memory_space<vmem>>, vector<1x16xf32>,
      %swap3A_311 = vector.shape_cast %swap3A_310 : vector<1x16xf32> to vector<16xf32>
      %swap3A_312 = vector.shape_cast %add3A_307 : vector<16xf32> to vector<1x16xf32>
      tpu.vector_store %arg11[%swap3A_308, %swap3A_309], %swap3A_312 {strides = array<i32>} : memref<512x128xf32, #tpu.memory_space<vmem>>, vector<1x16xf32>,
      %mul3A_313 = arith.mulf %broadcast_in_dim3A_285, %get3A_52 : vector<16xf32>
      %add3A_314 = arith.addf %mul3A_313, %add3A_84 : vector<16xf32>
      %swap3A_315 = arith.index_cast %add3A_282 : i32 to index
      %swap3A_316 = arith.constant 48 : index
      %swap3A_317 = tpu.vector_load %arg11[%swap3A_315, %swap3A_316] {strides = array<i32>} : memref<512x128xf32, #tpu.memory_space<vmem>>, vector<1x16xf32>,
      %swap3A_318 = vector.shape_cast %swap3A_317 : vector<1x16xf32> to vector<16xf32>
      %swap3A_319 = vector.shape_cast %add3A_314 : vector<16xf32> to vector<1x16xf32>
      tpu.vector_store %arg11[%swap3A_315, %swap3A_316], %swap3A_319 {strides = array<i32>} : memref<512x128xf32, #tpu.memory_space<vmem>>, vector<1x16xf32>,
      %mul3A_320 = arith.mulf %broadcast_in_dim3A_288, %get3A_58 : vector<16xf32>
      %add3A_321 = arith.addf %mul3A_320, %add3A_98 : vector<16xf32>
      %swap3A_322 = arith.index_cast %add3A_282 : i32 to index
      %swap3A_323 = arith.constant 80 : index
      %swap3A_324 = tpu.vector_load %arg11[%swap3A_322, %swap3A_323] {strides = array<i32>} : memref<512x128xf32, #tpu.memory_space<vmem>>, vector<1x16xf32>,
      %swap3A_325 = vector.shape_cast %swap3A_324 : vector<1x16xf32> to vector<16xf32>
      %swap3A_326 = vector.shape_cast %add3A_321 : vector<16xf32> to vector<1x16xf32>
      tpu.vector_store %arg11[%swap3A_322, %swap3A_323], %swap3A_326 {strides = array<i32>} : memref<512x128xf32, #tpu.memory_space<vmem>>, vector<1x16xf32>,
      %mul3A_327 = arith.mulf %broadcast_in_dim3A_291, %get3A_64 : vector<16xf32>
      %add3A_328 = arith.addf %mul3A_327, %add3A_112 : vector<16xf32>
      %swap3A_329 = arith.index_cast %add3A_282 : i32 to index
      %swap3A_330 = arith.constant 112 : index
      %swap3A_331 = tpu.vector_load %arg11[%swap3A_329, %swap3A_330] {strides = array<i32>} : memref<512x128xf32, #tpu.memory_space<vmem>>, vector<1x16xf32>,
      %swap3A_332 = vector.shape_cast %swap3A_331 : vector<1x16xf32> to vector<16xf32>
      %swap3A_333 = vector.shape_cast %add3A_328 : vector<16xf32> to vector<1x16xf32>
      tpu.vector_store %arg11[%swap3A_329, %swap3A_330], %swap3A_333 {strides = array<i32>} : memref<512x128xf32, #tpu.memory_space<vmem>>, vector<1x16xf32>,
      %add3A_334 = arith.constant 3 : i32
      %add3A_335 = arith.addi %mul3A_165, %add3A_334 : i32
      %slice3A_336 = vector.extract_strided_slice %get3A_168 {offsets = [3], sizes = [1], strides = [1]} : vector<16xf32> to vector<1xf32>
      %squeeze3A_337 = vector.extract %slice3A_336[0] : f32 from vector<1xf32>
      %broadcast_in_dim3A_338 = vector.broadcast %squeeze3A_337 : f32 to vector<16xf32>
      %slice3A_339 = vector.extract_strided_slice %get3A_173 {offsets = [3], sizes = [1], strides = [1]} : vector<16xf32> to vector<1xf32>
      %squeeze3A_340 = vector.extract %slice3A_339[0] : f32 from vector<1xf32>
      %broadcast_in_dim3A_341 = vector.broadcast %squeeze3A_340 : f32 to vector<16xf32>
      %slice3A_342 = vector.extract_strided_slice %get3A_178 {offsets = [3], sizes = [1], strides = [1]} : vector<16xf32> to vector<1xf32>
      %squeeze3A_343 = vector.extract %slice3A_342[0] : f32 from vector<1xf32>
      %broadcast_in_dim3A_344 = vector.broadcast %squeeze3A_343 : f32 to vector<16xf32>
      %mul3A_345 = arith.mulf %broadcast_in_dim3A_338, %get3A_49 : vector<16xf32>
      %add3A_346 = arith.addf %mul3A_345, %add3A_77 : vector<16xf32>
      %swap3A_347 = arith.index_cast %add3A_335 : i32 to index
      %swap3A_348 = arith.constant 32 : index
      %swap3A_349 = tpu.vector_load %arg11[%swap3A_347, %swap3A_348] {strides = array<i32>} : memref<512x128xf32, #tpu.memory_space<vmem>>, vector<1x16xf32>,
      %swap3A_350 = vector.shape_cast %swap3A_349 : vector<1x16xf32> to vector<16xf32>
      %swap3A_351 = vector.shape_cast %add3A_346 : vector<16xf32> to vector<1x16xf32>
      tpu.vector_store %arg11[%swap3A_347, %swap3A_348], %swap3A_351 {strides = array<i32>} : memref<512x128xf32, #tpu.memory_space<vmem>>, vector<1x16xf32>,
      %mul3A_352 = arith.mulf %broadcast_in_dim3A_341, %get3A_55 : vector<16xf32>
      %add3A_353 = arith.addf %mul3A_352, %add3A_91 : vector<16xf32>
      %swap3A_354 = arith.index_cast %add3A_335 : i32 to index
      %swap3A_355 = arith.constant 64 : index
      %swap3A_356 = tpu.vector_load %arg11[%swap3A_354, %swap3A_355] {strides = array<i32>} : memref<512x128xf32, #tpu.memory_space<vmem>>, vector<1x16xf32>,
      %swap3A_357 = vector.shape_cast %swap3A_356 : vector<1x16xf32> to vector<16xf32>
      %swap3A_358 = vector.shape_cast %add3A_353 : vector<16xf32> to vector<1x16xf32>
      tpu.vector_store %arg11[%swap3A_354, %swap3A_355], %swap3A_358 {strides = array<i32>} : memref<512x128xf32, #tpu.memory_space<vmem>>, vector<1x16xf32>,
      %mul3A_359 = arith.mulf %broadcast_in_dim3A_344, %get3A_61 : vector<16xf32>
      %add3A_360 = arith.addf %mul3A_359, %add3A_105 : vector<16xf32>
      %swap3A_361 = arith.index_cast %add3A_335 : i32 to index
      %swap3A_362 = arith.constant 96 : index
      %swap3A_363 = tpu.vector_load %arg11[%swap3A_361, %swap3A_362] {strides = array<i32>} : memref<512x128xf32, #tpu.memory_space<vmem>>, vector<1x16xf32>,
      %swap3A_364 = vector.shape_cast %swap3A_363 : vector<1x16xf32> to vector<16xf32>
      %swap3A_365 = vector.shape_cast %add3A_360 : vector<16xf32> to vector<1x16xf32>
      tpu.vector_store %arg11[%swap3A_361, %swap3A_362], %swap3A_365 {strides = array<i32>} : memref<512x128xf32, #tpu.memory_space<vmem>>, vector<1x16xf32>,
      %mul3A_366 = arith.mulf %broadcast_in_dim3A_338, %get3A_52 : vector<16xf32>
      %add3A_367 = arith.addf %mul3A_366, %add3A_84 : vector<16xf32>
      %swap3A_368 = arith.index_cast %add3A_335 : i32 to index
      %swap3A_369 = arith.constant 48 : index
      %swap3A_370 = tpu.vector_load %arg11[%swap3A_368, %swap3A_369] {strides = array<i32>} : memref<512x128xf32, #tpu.memory_space<vmem>>, vector<1x16xf32>,
      %swap3A_371 = vector.shape_cast %swap3A_370 : vector<1x16xf32> to vector<16xf32>
      %swap3A_372 = vector.shape_cast %add3A_367 : vector<16xf32> to vector<1x16xf32>
      tpu.vector_store %arg11[%swap3A_368, %swap3A_369], %swap3A_372 {strides = array<i32>} : memref<512x128xf32, #tpu.memory_space<vmem>>, vector<1x16xf32>,
      %mul3A_373 = arith.mulf %broadcast_in_dim3A_341, %get3A_58 : vector<16xf32>
      %add3A_374 = arith.addf %mul3A_373, %add3A_98 : vector<16xf32>
      %swap3A_375 = arith.index_cast %add3A_335 : i32 to index
      %swap3A_376 = arith.constant 80 : index
      %swap3A_377 = tpu.vector_load %arg11[%swap3A_375, %swap3A_376] {strides = array<i32>} : memref<512x128xf32, #tpu.memory_space<vmem>>, vector<1x16xf32>,
      %swap3A_378 = vector.shape_cast %swap3A_377 : vector<1x16xf32> to vector<16xf32>
      %swap3A_379 = vector.shape_cast %add3A_374 : vector<16xf32> to vector<1x16xf32>
      tpu.vector_store %arg11[%swap3A_375, %swap3A_376], %swap3A_379 {strides = array<i32>} : memref<512x128xf32, #tpu.memory_space<vmem>>, vector<1x16xf32>,
      %mul3A_380 = arith.mulf %broadcast_in_dim3A_344, %get3A_64 : vector<16xf32>
      %add3A_381 = arith.addf %mul3A_380, %add3A_112 : vector<16xf32>
      %swap3A_382 = arith.index_cast %add3A_335 : i32 to index
      %swap3A_383 = arith.constant 112 : index
      %swap3A_384 = tpu.vector_load %arg11[%swap3A_382, %swap3A_383] {strides = array<i32>} : memref<512x128xf32, #tpu.memory_space<vmem>>, vector<1x16xf32>,
      %swap3A_385 = vector.shape_cast %swap3A_384 : vector<1x16xf32> to vector<16xf32>
      %swap3A_386 = vector.shape_cast %add3A_381 : vector<16xf32> to vector<1x16xf32>
      tpu.vector_store %arg11[%swap3A_382, %swap3A_383], %swap3A_386 {strides = array<i32>} : memref<512x128xf32, #tpu.memory_space<vmem>>, vector<1x16xf32>,
      %add3A_387 = arith.constant 4 : i32
      %add3A_388 = arith.addi %mul3A_165, %add3A_387 : i32
      %slice3A_389 = vector.extract_strided_slice %get3A_168 {offsets = [4], sizes = [1], strides = [1]} : vector<16xf32> to vector<1xf32>
      %squeeze3A_390 = vector.extract %slice3A_389[0] : f32 from vector<1xf32>
      %broadcast_in_dim3A_391 = vector.broadcast %squeeze3A_390 : f32 to vector<16xf32>
      %slice3A_392 = vector.extract_strided_slice %get3A_173 {offsets = [4], sizes = [1], strides = [1]} : vector<16xf32> to vector<1xf32>
      %squeeze3A_393 = vector.extract %slice3A_392[0] : f32 from vector<1xf32>
      %broadcast_in_dim3A_394 = vector.broadcast %squeeze3A_393 : f32 to vector<16xf32>
      %slice3A_395 = vector.extract_strided_slice %get3A_178 {offsets = [4], sizes = [1], strides = [1]} : vector<16xf32> to vector<1xf32>
      %squeeze3A_396 = vector.extract %slice3A_395[0] : f32 from vector<1xf32>
      %broadcast_in_dim3A_397 = vector.broadcast %squeeze3A_396 : f32 to vector<16xf32>
      %mul3A_398 = arith.mulf %broadcast_in_dim3A_391, %get3A_49 : vector<16xf32>
      %add3A_399 = arith.addf %mul3A_398, %add3A_77 : vector<16xf32>
      %swap3A_400 = arith.index_cast %add3A_388 : i32 to index
      %swap3A_401 = arith.constant 32 : index
      %swap3A_402 = tpu.vector_load %arg11[%swap3A_400, %swap3A_401] {strides = array<i32>} : memref<512x128xf32, #tpu.memory_space<vmem>>, vector<1x16xf32>,
      %swap3A_403 = vector.shape_cast %swap3A_402 : vector<1x16xf32> to vector<16xf32>
      %swap3A_404 = vector.shape_cast %add3A_399 : vector<16xf32> to vector<1x16xf32>
      tpu.vector_store %arg11[%swap3A_400, %swap3A_401], %swap3A_404 {strides = array<i32>} : memref<512x128xf32, #tpu.memory_space<vmem>>, vector<1x16xf32>,
      %mul3A_405 = arith.mulf %broadcast_in_dim3A_394, %get3A_55 : vector<16xf32>
      %add3A_406 = arith.addf %mul3A_405, %add3A_91 : vector<16xf32>
      %swap3A_407 = arith.index_cast %add3A_388 : i32 to index
      %swap3A_408 = arith.constant 64 : index
      %swap3A_409 = tpu.vector_load %arg11[%swap3A_407, %swap3A_408] {strides = array<i32>} : memref<512x128xf32, #tpu.memory_space<vmem>>, vector<1x16xf32>,
      %swap3A_410 = vector.shape_cast %swap3A_409 : vector<1x16xf32> to vector<16xf32>
      %swap3A_411 = vector.shape_cast %add3A_406 : vector<16xf32> to vector<1x16xf32>
      tpu.vector_store %arg11[%swap3A_407, %swap3A_408], %swap3A_411 {strides = array<i32>} : memref<512x128xf32, #tpu.memory_space<vmem>>, vector<1x16xf32>,
      %mul3A_412 = arith.mulf %broadcast_in_dim3A_397, %get3A_61 : vector<16xf32>
      %add3A_413 = arith.addf %mul3A_412, %add3A_105 : vector<16xf32>
      %swap3A_414 = arith.index_cast %add3A_388 : i32 to index
      %swap3A_415 = arith.constant 96 : index
      %swap3A_416 = tpu.vector_load %arg11[%swap3A_414, %swap3A_415] {strides = array<i32>} : memref<512x128xf32, #tpu.memory_space<vmem>>, vector<1x16xf32>,
      %swap3A_417 = vector.shape_cast %swap3A_416 : vector<1x16xf32> to vector<16xf32>
      %swap3A_418 = vector.shape_cast %add3A_413 : vector<16xf32> to vector<1x16xf32>
      tpu.vector_store %arg11[%swap3A_414, %swap3A_415], %swap3A_418 {strides = array<i32>} : memref<512x128xf32, #tpu.memory_space<vmem>>, vector<1x16xf32>,
      %mul3A_419 = arith.mulf %broadcast_in_dim3A_391, %get3A_52 : vector<16xf32>
      %add3A_420 = arith.addf %mul3A_419, %add3A_84 : vector<16xf32>
      %swap3A_421 = arith.index_cast %add3A_388 : i32 to index
      %swap3A_422 = arith.constant 48 : index
      %swap3A_423 = tpu.vector_load %arg11[%swap3A_421, %swap3A_422] {strides = array<i32>} : memref<512x128xf32, #tpu.memory_space<vmem>>, vector<1x16xf32>,
      %swap3A_424 = vector.shape_cast %swap3A_423 : vector<1x16xf32> to vector<16xf32>
      %swap3A_425 = vector.shape_cast %add3A_420 : vector<16xf32> to vector<1x16xf32>
      tpu.vector_store %arg11[%swap3A_421, %swap3A_422], %swap3A_425 {strides = array<i32>} : memref<512x128xf32, #tpu.memory_space<vmem>>, vector<1x16xf32>,
      %mul3A_426 = arith.mulf %broadcast_in_dim3A_394, %get3A_58 : vector<16xf32>
      %add3A_427 = arith.addf %mul3A_426, %add3A_98 : vector<16xf32>
      %swap3A_428 = arith.index_cast %add3A_388 : i32 to index
      %swap3A_429 = arith.constant 80 : index
      %swap3A_430 = tpu.vector_load %arg11[%swap3A_428, %swap3A_429] {strides = array<i32>} : memref<512x128xf32, #tpu.memory_space<vmem>>, vector<1x16xf32>,
      %swap3A_431 = vector.shape_cast %swap3A_430 : vector<1x16xf32> to vector<16xf32>
      %swap3A_432 = vector.shape_cast %add3A_427 : vector<16xf32> to vector<1x16xf32>
      tpu.vector_store %arg11[%swap3A_428, %swap3A_429], %swap3A_432 {strides = array<i32>} : memref<512x128xf32, #tpu.memory_space<vmem>>, vector<1x16xf32>,
      %mul3A_433 = arith.mulf %broadcast_in_dim3A_397, %get3A_64 : vector<16xf32>
      %add3A_434 = arith.addf %mul3A_433, %add3A_112 : vector<16xf32>
      %swap3A_435 = arith.index_cast %add3A_388 : i32 to index
      %swap3A_436 = arith.constant 112 : index
      %swap3A_437 = tpu.vector_load %arg11[%swap3A_435, %swap3A_436] {strides = array<i32>} : memref<512x128xf32, #tpu.memory_space<vmem>>, vector<1x16xf32>,
      %swap3A_438 = vector.shape_cast %swap3A_437 : vector<1x16xf32> to vector<16xf32>
      %swap3A_439 = vector.shape_cast %add3A_434 : vector<16xf32> to vector<1x16xf32>
      tpu.vector_store %arg11[%swap3A_435, %swap3A_436], %swap3A_439 {strides = array<i32>} : memref<512x128xf32, #tpu.memory_space<vmem>>, vector<1x16xf32>,
      %add3A_440 = arith.constant 5 : i32
      %add3A_441 = arith.addi %mul3A_165, %add3A_440 : i32
      %slice3A_442 = vector.extract_strided_slice %get3A_168 {offsets = [5], sizes = [1], strides = [1]} : vector<16xf32> to vector<1xf32>
      %squeeze3A_443 = vector.extract %slice3A_442[0] : f32 from vector<1xf32>
      %broadcast_in_dim3A_444 = vector.broadcast %squeeze3A_443 : f32 to vector<16xf32>
      %slice3A_445 = vector.extract_strided_slice %get3A_173 {offsets = [5], sizes = [1], strides = [1]} : vector<16xf32> to vector<1xf32>
      %squeeze3A_446 = vector.extract %slice3A_445[0] : f32 from vector<1xf32>
      %broadcast_in_dim3A_447 = vector.broadcast %squeeze3A_446 : f32 to vector<16xf32>
      %slice3A_448 = vector.extract_strided_slice %get3A_178 {offsets = [5], sizes = [1], strides = [1]} : vector<16xf32> to vector<1xf32>
      %squeeze3A_449 = vector.extract %slice3A_448[0] : f32 from vector<1xf32>
      %broadcast_in_dim3A_450 = vector.broadcast %squeeze3A_449 : f32 to vector<16xf32>
      %mul3A_451 = arith.mulf %broadcast_in_dim3A_444, %get3A_49 : vector<16xf32>
      %add3A_452 = arith.addf %mul3A_451, %add3A_77 : vector<16xf32>
      %swap3A_453 = arith.index_cast %add3A_441 : i32 to index
      %swap3A_454 = arith.constant 32 : index
      %swap3A_455 = tpu.vector_load %arg11[%swap3A_453, %swap3A_454] {strides = array<i32>} : memref<512x128xf32, #tpu.memory_space<vmem>>, vector<1x16xf32>,
      %swap3A_456 = vector.shape_cast %swap3A_455 : vector<1x16xf32> to vector<16xf32>
      %swap3A_457 = vector.shape_cast %add3A_452 : vector<16xf32> to vector<1x16xf32>
      tpu.vector_store %arg11[%swap3A_453, %swap3A_454], %swap3A_457 {strides = array<i32>} : memref<512x128xf32, #tpu.memory_space<vmem>>, vector<1x16xf32>,
      %mul3A_458 = arith.mulf %broadcast_in_dim3A_447, %get3A_55 : vector<16xf32>
      %add3A_459 = arith.addf %mul3A_458, %add3A_91 : vector<16xf32>
      %swap3A_460 = arith.index_cast %add3A_441 : i32 to index
      %swap3A_461 = arith.constant 64 : index
      %swap3A_462 = tpu.vector_load %arg11[%swap3A_460, %swap3A_461] {strides = array<i32>} : memref<512x128xf32, #tpu.memory_space<vmem>>, vector<1x16xf32>,
      %swap3A_463 = vector.shape_cast %swap3A_462 : vector<1x16xf32> to vector<16xf32>
      %swap3A_464 = vector.shape_cast %add3A_459 : vector<16xf32> to vector<1x16xf32>
      tpu.vector_store %arg11[%swap3A_460, %swap3A_461], %swap3A_464 {strides = array<i32>} : memref<512x128xf32, #tpu.memory_space<vmem>>, vector<1x16xf32>,
      %mul3A_465 = arith.mulf %broadcast_in_dim3A_450, %get3A_61 : vector<16xf32>
      %add3A_466 = arith.addf %mul3A_465, %add3A_105 : vector<16xf32>
      %swap3A_467 = arith.index_cast %add3A_441 : i32 to index
      %swap3A_468 = arith.constant 96 : index
      %swap3A_469 = tpu.vector_load %arg11[%swap3A_467, %swap3A_468] {strides = array<i32>} : memref<512x128xf32, #tpu.memory_space<vmem>>, vector<1x16xf32>,
      %swap3A_470 = vector.shape_cast %swap3A_469 : vector<1x16xf32> to vector<16xf32>
      %swap3A_471 = vector.shape_cast %add3A_466 : vector<16xf32> to vector<1x16xf32>
      tpu.vector_store %arg11[%swap3A_467, %swap3A_468], %swap3A_471 {strides = array<i32>} : memref<512x128xf32, #tpu.memory_space<vmem>>, vector<1x16xf32>,
      %mul3A_472 = arith.mulf %broadcast_in_dim3A_444, %get3A_52 : vector<16xf32>
      %add3A_473 = arith.addf %mul3A_472, %add3A_84 : vector<16xf32>
      %swap3A_474 = arith.index_cast %add3A_441 : i32 to index
      %swap3A_475 = arith.constant 48 : index
      %swap3A_476 = tpu.vector_load %arg11[%swap3A_474, %swap3A_475] {strides = array<i32>} : memref<512x128xf32, #tpu.memory_space<vmem>>, vector<1x16xf32>,
      %swap3A_477 = vector.shape_cast %swap3A_476 : vector<1x16xf32> to vector<16xf32>
      %swap3A_478 = vector.shape_cast %add3A_473 : vector<16xf32> to vector<1x16xf32>
      tpu.vector_store %arg11[%swap3A_474, %swap3A_475], %swap3A_478 {strides = array<i32>} : memref<512x128xf32, #tpu.memory_space<vmem>>, vector<1x16xf32>,
      %mul3A_479 = arith.mulf %broadcast_in_dim3A_447, %get3A_58 : vector<16xf32>
      %add3A_480 = arith.addf %mul3A_479, %add3A_98 : vector<16xf32>
      %swap3A_481 = arith.index_cast %add3A_441 : i32 to index
      %swap3A_482 = arith.constant 80 : index
      %swap3A_483 = tpu.vector_load %arg11[%swap3A_481, %swap3A_482] {strides = array<i32>} : memref<512x128xf32, #tpu.memory_space<vmem>>, vector<1x16xf32>,
      %swap3A_484 = vector.shape_cast %swap3A_483 : vector<1x16xf32> to vector<16xf32>
      %swap3A_485 = vector.shape_cast %add3A_480 : vector<16xf32> to vector<1x16xf32>
      tpu.vector_store %arg11[%swap3A_481, %swap3A_482], %swap3A_485 {strides = array<i32>} : memref<512x128xf32, #tpu.memory_space<vmem>>, vector<1x16xf32>,
      %mul3A_486 = arith.mulf %broadcast_in_dim3A_450, %get3A_64 : vector<16xf32>
      %add3A_487 = arith.addf %mul3A_486, %add3A_112 : vector<16xf32>
      %swap3A_488 = arith.index_cast %add3A_441 : i32 to index
      %swap3A_489 = arith.constant 112 : index
      %swap3A_490 = tpu.vector_load %arg11[%swap3A_488, %swap3A_489] {strides = array<i32>} : memref<512x128xf32, #tpu.memory_space<vmem>>, vector<1x16xf32>,
      %swap3A_491 = vector.shape_cast %swap3A_490 : vector<1x16xf32> to vector<16xf32>
      %swap3A_492 = vector.shape_cast %add3A_487 : vector<16xf32> to vector<1x16xf32>
      tpu.vector_store %arg11[%swap3A_488, %swap3A_489], %swap3A_492 {strides = array<i32>} : memref<512x128xf32, #tpu.memory_space<vmem>>, vector<1x16xf32>,
      %add3A_493 = arith.constant 6 : i32
      %add3A_494 = arith.addi %mul3A_165, %add3A_493 : i32
      %slice3A_495 = vector.extract_strided_slice %get3A_168 {offsets = [6], sizes = [1], strides = [1]} : vector<16xf32> to vector<1xf32>
      %squeeze3A_496 = vector.extract %slice3A_495[0] : f32 from vector<1xf32>
      %broadcast_in_dim3A_497 = vector.broadcast %squeeze3A_496 : f32 to vector<16xf32>
      %slice3A_498 = vector.extract_strided_slice %get3A_173 {offsets = [6], sizes = [1], strides = [1]} : vector<16xf32> to vector<1xf32>
      %squeeze3A_499 = vector.extract %slice3A_498[0] : f32 from vector<1xf32>
      %broadcast_in_dim3A_500 = vector.broadcast %squeeze3A_499 : f32 to vector<16xf32>
      %slice3A_501 = vector.extract_strided_slice %get3A_178 {offsets = [6], sizes = [1], strides = [1]} : vector<16xf32> to vector<1xf32>
      %squeeze3A_502 = vector.extract %slice3A_501[0] : f32 from vector<1xf32>
      %broadcast_in_dim3A_503 = vector.broadcast %squeeze3A_502 : f32 to vector<16xf32>
      %mul3A_504 = arith.mulf %broadcast_in_dim3A_497, %get3A_49 : vector<16xf32>
      %add3A_505 = arith.addf %mul3A_504, %add3A_77 : vector<16xf32>
      %swap3A_506 = arith.index_cast %add3A_494 : i32 to index
      %swap3A_507 = arith.constant 32 : index
      %swap3A_508 = tpu.vector_load %arg11[%swap3A_506, %swap3A_507] {strides = array<i32>} : memref<512x128xf32, #tpu.memory_space<vmem>>, vector<1x16xf32>,
      %swap3A_509 = vector.shape_cast %swap3A_508 : vector<1x16xf32> to vector<16xf32>
      %swap3A_510 = vector.shape_cast %add3A_505 : vector<16xf32> to vector<1x16xf32>
      tpu.vector_store %arg11[%swap3A_506, %swap3A_507], %swap3A_510 {strides = array<i32>} : memref<512x128xf32, #tpu.memory_space<vmem>>, vector<1x16xf32>,
      %mul3A_511 = arith.mulf %broadcast_in_dim3A_500, %get3A_55 : vector<16xf32>
      %add3A_512 = arith.addf %mul3A_511, %add3A_91 : vector<16xf32>
      %swap3A_513 = arith.index_cast %add3A_494 : i32 to index
      %swap3A_514 = arith.constant 64 : index
      %swap3A_515 = tpu.vector_load %arg11[%swap3A_513, %swap3A_514] {strides = array<i32>} : memref<512x128xf32, #tpu.memory_space<vmem>>, vector<1x16xf32>,
      %swap3A_516 = vector.shape_cast %swap3A_515 : vector<1x16xf32> to vector<16xf32>
      %swap3A_517 = vector.shape_cast %add3A_512 : vector<16xf32> to vector<1x16xf32>
      tpu.vector_store %arg11[%swap3A_513, %swap3A_514], %swap3A_517 {strides = array<i32>} : memref<512x128xf32, #tpu.memory_space<vmem>>, vector<1x16xf32>,
      %mul3A_518 = arith.mulf %broadcast_in_dim3A_503, %get3A_61 : vector<16xf32>
      %add3A_519 = arith.addf %mul3A_518, %add3A_105 : vector<16xf32>
      %swap3A_520 = arith.index_cast %add3A_494 : i32 to index
      %swap3A_521 = arith.constant 96 : index
      %swap3A_522 = tpu.vector_load %arg11[%swap3A_520, %swap3A_521] {strides = array<i32>} : memref<512x128xf32, #tpu.memory_space<vmem>>, vector<1x16xf32>,
      %swap3A_523 = vector.shape_cast %swap3A_522 : vector<1x16xf32> to vector<16xf32>
      %swap3A_524 = vector.shape_cast %add3A_519 : vector<16xf32> to vector<1x16xf32>
      tpu.vector_store %arg11[%swap3A_520, %swap3A_521], %swap3A_524 {strides = array<i32>} : memref<512x128xf32, #tpu.memory_space<vmem>>, vector<1x16xf32>,
      %mul3A_525 = arith.mulf %broadcast_in_dim3A_497, %get3A_52 : vector<16xf32>
      %add3A_526 = arith.addf %mul3A_525, %add3A_84 : vector<16xf32>
      %swap3A_527 = arith.index_cast %add3A_494 : i32 to index
      %swap3A_528 = arith.constant 48 : index
      %swap3A_529 = tpu.vector_load %arg11[%swap3A_527, %swap3A_528] {strides = array<i32>} : memref<512x128xf32, #tpu.memory_space<vmem>>, vector<1x16xf32>,
      %swap3A_530 = vector.shape_cast %swap3A_529 : vector<1x16xf32> to vector<16xf32>
      %swap3A_531 = vector.shape_cast %add3A_526 : vector<16xf32> to vector<1x16xf32>
      tpu.vector_store %arg11[%swap3A_527, %swap3A_528], %swap3A_531 {strides = array<i32>} : memref<512x128xf32, #tpu.memory_space<vmem>>, vector<1x16xf32>,
      %mul3A_532 = arith.mulf %broadcast_in_dim3A_500, %get3A_58 : vector<16xf32>
      %add3A_533 = arith.addf %mul3A_532, %add3A_98 : vector<16xf32>
      %swap3A_534 = arith.index_cast %add3A_494 : i32 to index
      %swap3A_535 = arith.constant 80 : index
      %swap3A_536 = tpu.vector_load %arg11[%swap3A_534, %swap3A_535] {strides = array<i32>} : memref<512x128xf32, #tpu.memory_space<vmem>>, vector<1x16xf32>,
      %swap3A_537 = vector.shape_cast %swap3A_536 : vector<1x16xf32> to vector<16xf32>
      %swap3A_538 = vector.shape_cast %add3A_533 : vector<16xf32> to vector<1x16xf32>
      tpu.vector_store %arg11[%swap3A_534, %swap3A_535], %swap3A_538 {strides = array<i32>} : memref<512x128xf32, #tpu.memory_space<vmem>>, vector<1x16xf32>,
      %mul3A_539 = arith.mulf %broadcast_in_dim3A_503, %get3A_64 : vector<16xf32>
      %add3A_540 = arith.addf %mul3A_539, %add3A_112 : vector<16xf32>
      %swap3A_541 = arith.index_cast %add3A_494 : i32 to index
      %swap3A_542 = arith.constant 112 : index
      %swap3A_543 = tpu.vector_load %arg11[%swap3A_541, %swap3A_542] {strides = array<i32>} : memref<512x128xf32, #tpu.memory_space<vmem>>, vector<1x16xf32>,
      %swap3A_544 = vector.shape_cast %swap3A_543 : vector<1x16xf32> to vector<16xf32>
      %swap3A_545 = vector.shape_cast %add3A_540 : vector<16xf32> to vector<1x16xf32>
      tpu.vector_store %arg11[%swap3A_541, %swap3A_542], %swap3A_545 {strides = array<i32>} : memref<512x128xf32, #tpu.memory_space<vmem>>, vector<1x16xf32>,
      %add3A_546 = arith.constant 7 : i32
      %add3A_547 = arith.addi %mul3A_165, %add3A_546 : i32
      %slice3A_548 = vector.extract_strided_slice %get3A_168 {offsets = [7], sizes = [1], strides = [1]} : vector<16xf32> to vector<1xf32>
      %squeeze3A_549 = vector.extract %slice3A_548[0] : f32 from vector<1xf32>
      %broadcast_in_dim3A_550 = vector.broadcast %squeeze3A_549 : f32 to vector<16xf32>
      %slice3A_551 = vector.extract_strided_slice %get3A_173 {offsets = [7], sizes = [1], strides = [1]} : vector<16xf32> to vector<1xf32>
      %squeeze3A_552 = vector.extract %slice3A_551[0] : f32 from vector<1xf32>
      %broadcast_in_dim3A_553 = vector.broadcast %squeeze3A_552 : f32 to vector<16xf32>
      %slice3A_554 = vector.extract_strided_slice %get3A_178 {offsets = [7], sizes = [1], strides = [1]} : vector<16xf32> to vector<1xf32>
      %squeeze3A_555 = vector.extract %slice3A_554[0] : f32 from vector<1xf32>
      %broadcast_in_dim3A_556 = vector.broadcast %squeeze3A_555 : f32 to vector<16xf32>
      %mul3A_557 = arith.mulf %broadcast_in_dim3A_550, %get3A_49 : vector<16xf32>
      %add3A_558 = arith.addf %mul3A_557, %add3A_77 : vector<16xf32>
      %swap3A_559 = arith.index_cast %add3A_547 : i32 to index
      %swap3A_560 = arith.constant 32 : index
      %swap3A_561 = tpu.vector_load %arg11[%swap3A_559, %swap3A_560] {strides = array<i32>} : memref<512x128xf32, #tpu.memory_space<vmem>>, vector<1x16xf32>,
      %swap3A_562 = vector.shape_cast %swap3A_561 : vector<1x16xf32> to vector<16xf32>
      %swap3A_563 = vector.shape_cast %add3A_558 : vector<16xf32> to vector<1x16xf32>
      tpu.vector_store %arg11[%swap3A_559, %swap3A_560], %swap3A_563 {strides = array<i32>} : memref<512x128xf32, #tpu.memory_space<vmem>>, vector<1x16xf32>,
      %mul3A_564 = arith.mulf %broadcast_in_dim3A_553, %get3A_55 : vector<16xf32>
      %add3A_565 = arith.addf %mul3A_564, %add3A_91 : vector<16xf32>
      %swap3A_566 = arith.index_cast %add3A_547 : i32 to index
      %swap3A_567 = arith.constant 64 : index
      %swap3A_568 = tpu.vector_load %arg11[%swap3A_566, %swap3A_567] {strides = array<i32>} : memref<512x128xf32, #tpu.memory_space<vmem>>, vector<1x16xf32>,
      %swap3A_569 = vector.shape_cast %swap3A_568 : vector<1x16xf32> to vector<16xf32>
      %swap3A_570 = vector.shape_cast %add3A_565 : vector<16xf32> to vector<1x16xf32>
      tpu.vector_store %arg11[%swap3A_566, %swap3A_567], %swap3A_570 {strides = array<i32>} : memref<512x128xf32, #tpu.memory_space<vmem>>, vector<1x16xf32>,
      %mul3A_571 = arith.mulf %broadcast_in_dim3A_556, %get3A_61 : vector<16xf32>
      %add3A_572 = arith.addf %mul3A_571, %add3A_105 : vector<16xf32>
      %swap3A_573 = arith.index_cast %add3A_547 : i32 to index
      %swap3A_574 = arith.constant 96 : index
      %swap3A_575 = tpu.vector_load %arg11[%swap3A_573, %swap3A_574] {strides = array<i32>} : memref<512x128xf32, #tpu.memory_space<vmem>>, vector<1x16xf32>,
      %swap3A_576 = vector.shape_cast %swap3A_575 : vector<1x16xf32> to vector<16xf32>
      %swap3A_577 = vector.shape_cast %add3A_572 : vector<16xf32> to vector<1x16xf32>
      tpu.vector_store %arg11[%swap3A_573, %swap3A_574], %swap3A_577 {strides = array<i32>} : memref<512x128xf32, #tpu.memory_space<vmem>>, vector<1x16xf32>,
      %mul3A_578 = arith.mulf %broadcast_in_dim3A_550, %get3A_52 : vector<16xf32>
      %add3A_579 = arith.addf %mul3A_578, %add3A_84 : vector<16xf32>
      %swap3A_580 = arith.index_cast %add3A_547 : i32 to index
      %swap3A_581 = arith.constant 48 : index
      %swap3A_582 = tpu.vector_load %arg11[%swap3A_580, %swap3A_581] {strides = array<i32>} : memref<512x128xf32, #tpu.memory_space<vmem>>, vector<1x16xf32>,
      %swap3A_583 = vector.shape_cast %swap3A_582 : vector<1x16xf32> to vector<16xf32>
      %swap3A_584 = vector.shape_cast %add3A_579 : vector<16xf32> to vector<1x16xf32>
      tpu.vector_store %arg11[%swap3A_580, %swap3A_581], %swap3A_584 {strides = array<i32>} : memref<512x128xf32, #tpu.memory_space<vmem>>, vector<1x16xf32>,
      %mul3A_585 = arith.mulf %broadcast_in_dim3A_553, %get3A_58 : vector<16xf32>
      %add3A_586 = arith.addf %mul3A_585, %add3A_98 : vector<16xf32>
      %swap3A_587 = arith.index_cast %add3A_547 : i32 to index
      %swap3A_588 = arith.constant 80 : index
      %swap3A_589 = tpu.vector_load %arg11[%swap3A_587, %swap3A_588] {strides = array<i32>} : memref<512x128xf32, #tpu.memory_space<vmem>>, vector<1x16xf32>,
      %swap3A_590 = vector.shape_cast %swap3A_589 : vector<1x16xf32> to vector<16xf32>
      %swap3A_591 = vector.shape_cast %add3A_586 : vector<16xf32> to vector<1x16xf32>
      tpu.vector_store %arg11[%swap3A_587, %swap3A_588], %swap3A_591 {strides = array<i32>} : memref<512x128xf32, #tpu.memory_space<vmem>>, vector<1x16xf32>,
      %mul3A_592 = arith.mulf %broadcast_in_dim3A_556, %get3A_64 : vector<16xf32>
      %add3A_593 = arith.addf %mul3A_592, %add3A_112 : vector<16xf32>
      %swap3A_594 = arith.index_cast %add3A_547 : i32 to index
      %swap3A_595 = arith.constant 112 : index
      %swap3A_596 = tpu.vector_load %arg11[%swap3A_594, %swap3A_595] {strides = array<i32>} : memref<512x128xf32, #tpu.memory_space<vmem>>, vector<1x16xf32>,
      %swap3A_597 = vector.shape_cast %swap3A_596 : vector<1x16xf32> to vector<16xf32>
      %swap3A_598 = vector.shape_cast %add3A_593 : vector<16xf32> to vector<1x16xf32>
      tpu.vector_store %arg11[%swap3A_594, %swap3A_595], %swap3A_598 {strides = array<i32>} : memref<512x128xf32, #tpu.memory_space<vmem>>, vector<1x16xf32>,
      %add3A_599 = arith.constant 8 : i32
      %add3A_600 = arith.addi %mul3A_165, %add3A_599 : i32
      %slice3A_601 = vector.extract_strided_slice %get3A_168 {offsets = [8], sizes = [1], strides = [1]} : vector<16xf32> to vector<1xf32>
      %squeeze3A_602 = vector.extract %slice3A_601[0] : f32 from vector<1xf32>
      %broadcast_in_dim3A_603 = vector.broadcast %squeeze3A_602 : f32 to vector<16xf32>
      %slice3A_604 = vector.extract_strided_slice %get3A_173 {offsets = [8], sizes = [1], strides = [1]} : vector<16xf32> to vector<1xf32>
      %squeeze3A_605 = vector.extract %slice3A_604[0] : f32 from vector<1xf32>
      %broadcast_in_dim3A_606 = vector.broadcast %squeeze3A_605 : f32 to vector<16xf32>
      %slice3A_607 = vector.extract_strided_slice %get3A_178 {offsets = [8], sizes = [1], strides = [1]} : vector<16xf32> to vector<1xf32>
      %squeeze3A_608 = vector.extract %slice3A_607[0] : f32 from vector<1xf32>
      %broadcast_in_dim3A_609 = vector.broadcast %squeeze3A_608 : f32 to vector<16xf32>
      %mul3A_610 = arith.mulf %broadcast_in_dim3A_603, %get3A_49 : vector<16xf32>
      %add3A_611 = arith.addf %mul3A_610, %add3A_77 : vector<16xf32>
      %swap3A_612 = arith.index_cast %add3A_600 : i32 to index
      %swap3A_613 = arith.constant 32 : index
      %swap3A_614 = tpu.vector_load %arg11[%swap3A_612, %swap3A_613] {strides = array<i32>} : memref<512x128xf32, #tpu.memory_space<vmem>>, vector<1x16xf32>,
      %swap3A_615 = vector.shape_cast %swap3A_614 : vector<1x16xf32> to vector<16xf32>
      %swap3A_616 = vector.shape_cast %add3A_611 : vector<16xf32> to vector<1x16xf32>
      tpu.vector_store %arg11[%swap3A_612, %swap3A_613], %swap3A_616 {strides = array<i32>} : memref<512x128xf32, #tpu.memory_space<vmem>>, vector<1x16xf32>,
      %mul3A_617 = arith.mulf %broadcast_in_dim3A_606, %get3A_55 : vector<16xf32>
      %add3A_618 = arith.addf %mul3A_617, %add3A_91 : vector<16xf32>
      %swap3A_619 = arith.index_cast %add3A_600 : i32 to index
      %swap3A_620 = arith.constant 64 : index
      %swap3A_621 = tpu.vector_load %arg11[%swap3A_619, %swap3A_620] {strides = array<i32>} : memref<512x128xf32, #tpu.memory_space<vmem>>, vector<1x16xf32>,
      %swap3A_622 = vector.shape_cast %swap3A_621 : vector<1x16xf32> to vector<16xf32>
      %swap3A_623 = vector.shape_cast %add3A_618 : vector<16xf32> to vector<1x16xf32>
      tpu.vector_store %arg11[%swap3A_619, %swap3A_620], %swap3A_623 {strides = array<i32>} : memref<512x128xf32, #tpu.memory_space<vmem>>, vector<1x16xf32>,
      %mul3A_624 = arith.mulf %broadcast_in_dim3A_609, %get3A_61 : vector<16xf32>
      %add3A_625 = arith.addf %mul3A_624, %add3A_105 : vector<16xf32>
      %swap3A_626 = arith.index_cast %add3A_600 : i32 to index
      %swap3A_627 = arith.constant 96 : index
      %swap3A_628 = tpu.vector_load %arg11[%swap3A_626, %swap3A_627] {strides = array<i32>} : memref<512x128xf32, #tpu.memory_space<vmem>>, vector<1x16xf32>,
      %swap3A_629 = vector.shape_cast %swap3A_628 : vector<1x16xf32> to vector<16xf32>
      %swap3A_630 = vector.shape_cast %add3A_625 : vector<16xf32> to vector<1x16xf32>
      tpu.vector_store %arg11[%swap3A_626, %swap3A_627], %swap3A_630 {strides = array<i32>} : memref<512x128xf32, #tpu.memory_space<vmem>>, vector<1x16xf32>,
      %mul3A_631 = arith.mulf %broadcast_in_dim3A_603, %get3A_52 : vector<16xf32>
      %add3A_632 = arith.addf %mul3A_631, %add3A_84 : vector<16xf32>
      %swap3A_633 = arith.index_cast %add3A_600 : i32 to index
      %swap3A_634 = arith.constant 48 : index
      %swap3A_635 = tpu.vector_load %arg11[%swap3A_633, %swap3A_634] {strides = array<i32>} : memref<512x128xf32, #tpu.memory_space<vmem>>, vector<1x16xf32>,
      %swap3A_636 = vector.shape_cast %swap3A_635 : vector<1x16xf32> to vector<16xf32>
      %swap3A_637 = vector.shape_cast %add3A_632 : vector<16xf32> to vector<1x16xf32>
      tpu.vector_store %arg11[%swap3A_633, %swap3A_634], %swap3A_637 {strides = array<i32>} : memref<512x128xf32, #tpu.memory_space<vmem>>, vector<1x16xf32>,
      %mul3A_638 = arith.mulf %broadcast_in_dim3A_606, %get3A_58 : vector<16xf32>
      %add3A_639 = arith.addf %mul3A_638, %add3A_98 : vector<16xf32>
      %swap3A_640 = arith.index_cast %add3A_600 : i32 to index
      %swap3A_641 = arith.constant 80 : index
      %swap3A_642 = tpu.vector_load %arg11[%swap3A_640, %swap3A_641] {strides = array<i32>} : memref<512x128xf32, #tpu.memory_space<vmem>>, vector<1x16xf32>,
      %swap3A_643 = vector.shape_cast %swap3A_642 : vector<1x16xf32> to vector<16xf32>
      %swap3A_644 = vector.shape_cast %add3A_639 : vector<16xf32> to vector<1x16xf32>
      tpu.vector_store %arg11[%swap3A_640, %swap3A_641], %swap3A_644 {strides = array<i32>} : memref<512x128xf32, #tpu.memory_space<vmem>>, vector<1x16xf32>,
      %mul3A_645 = arith.mulf %broadcast_in_dim3A_609, %get3A_64 : vector<16xf32>
      %add3A_646 = arith.addf %mul3A_645, %add3A_112 : vector<16xf32>
      %swap3A_647 = arith.index_cast %add3A_600 : i32 to index
      %swap3A_648 = arith.constant 112 : index
      %swap3A_649 = tpu.vector_load %arg11[%swap3A_647, %swap3A_648] {strides = array<i32>} : memref<512x128xf32, #tpu.memory_space<vmem>>, vector<1x16xf32>,
      %swap3A_650 = vector.shape_cast %swap3A_649 : vector<1x16xf32> to vector<16xf32>
      %swap3A_651 = vector.shape_cast %add3A_646 : vector<16xf32> to vector<1x16xf32>
      tpu.vector_store %arg11[%swap3A_647, %swap3A_648], %swap3A_651 {strides = array<i32>} : memref<512x128xf32, #tpu.memory_space<vmem>>, vector<1x16xf32>,
      %add3A_652 = arith.constant 9 : i32
      %add3A_653 = arith.addi %mul3A_165, %add3A_652 : i32
      %slice3A_654 = vector.extract_strided_slice %get3A_168 {offsets = [9], sizes = [1], strides = [1]} : vector<16xf32> to vector<1xf32>
      %squeeze3A_655 = vector.extract %slice3A_654[0] : f32 from vector<1xf32>
      %broadcast_in_dim3A_656 = vector.broadcast %squeeze3A_655 : f32 to vector<16xf32>
      %slice3A_657 = vector.extract_strided_slice %get3A_173 {offsets = [9], sizes = [1], strides = [1]} : vector<16xf32> to vector<1xf32>
      %squeeze3A_658 = vector.extract %slice3A_657[0] : f32 from vector<1xf32>
      %broadcast_in_dim3A_659 = vector.broadcast %squeeze3A_658 : f32 to vector<16xf32>
      %slice3A_660 = vector.extract_strided_slice %get3A_178 {offsets = [9], sizes = [1], strides = [1]} : vector<16xf32> to vector<1xf32>
      %squeeze3A_661 = vector.extract %slice3A_660[0] : f32 from vector<1xf32>
      %broadcast_in_dim3A_662 = vector.broadcast %squeeze3A_661 : f32 to vector<16xf32>
      %mul3A_663 = arith.mulf %broadcast_in_dim3A_656, %get3A_49 : vector<16xf32>
      %add3A_664 = arith.addf %mul3A_663, %add3A_77 : vector<16xf32>
      %swap3A_665 = arith.index_cast %add3A_653 : i32 to index
      %swap3A_666 = arith.constant 32 : index
      %swap3A_667 = tpu.vector_load %arg11[%swap3A_665, %swap3A_666] {strides = array<i32>} : memref<512x128xf32, #tpu.memory_space<vmem>>, vector<1x16xf32>,
      %swap3A_668 = vector.shape_cast %swap3A_667 : vector<1x16xf32> to vector<16xf32>
      %swap3A_669 = vector.shape_cast %add3A_664 : vector<16xf32> to vector<1x16xf32>
      tpu.vector_store %arg11[%swap3A_665, %swap3A_666], %swap3A_669 {strides = array<i32>} : memref<512x128xf32, #tpu.memory_space<vmem>>, vector<1x16xf32>,
      %mul3A_670 = arith.mulf %broadcast_in_dim3A_659, %get3A_55 : vector<16xf32>
      %add3A_671 = arith.addf %mul3A_670, %add3A_91 : vector<16xf32>
      %swap3A_672 = arith.index_cast %add3A_653 : i32 to index
      %swap3A_673 = arith.constant 64 : index
      %swap3A_674 = tpu.vector_load %arg11[%swap3A_672, %swap3A_673] {strides = array<i32>} : memref<512x128xf32, #tpu.memory_space<vmem>>, vector<1x16xf32>,
      %swap3A_675 = vector.shape_cast %swap3A_674 : vector<1x16xf32> to vector<16xf32>
      %swap3A_676 = vector.shape_cast %add3A_671 : vector<16xf32> to vector<1x16xf32>
      tpu.vector_store %arg11[%swap3A_672, %swap3A_673], %swap3A_676 {strides = array<i32>} : memref<512x128xf32, #tpu.memory_space<vmem>>, vector<1x16xf32>,
      %mul3A_677 = arith.mulf %broadcast_in_dim3A_662, %get3A_61 : vector<16xf32>
      %add3A_678 = arith.addf %mul3A_677, %add3A_105 : vector<16xf32>
      %swap3A_679 = arith.index_cast %add3A_653 : i32 to index
      %swap3A_680 = arith.constant 96 : index
      %swap3A_681 = tpu.vector_load %arg11[%swap3A_679, %swap3A_680] {strides = array<i32>} : memref<512x128xf32, #tpu.memory_space<vmem>>, vector<1x16xf32>,
      %swap3A_682 = vector.shape_cast %swap3A_681 : vector<1x16xf32> to vector<16xf32>
      %swap3A_683 = vector.shape_cast %add3A_678 : vector<16xf32> to vector<1x16xf32>
      tpu.vector_store %arg11[%swap3A_679, %swap3A_680], %swap3A_683 {strides = array<i32>} : memref<512x128xf32, #tpu.memory_space<vmem>>, vector<1x16xf32>,
      %mul3A_684 = arith.mulf %broadcast_in_dim3A_656, %get3A_52 : vector<16xf32>
      %add3A_685 = arith.addf %mul3A_684, %add3A_84 : vector<16xf32>
      %swap3A_686 = arith.index_cast %add3A_653 : i32 to index
      %swap3A_687 = arith.constant 48 : index
      %swap3A_688 = tpu.vector_load %arg11[%swap3A_686, %swap3A_687] {strides = array<i32>} : memref<512x128xf32, #tpu.memory_space<vmem>>, vector<1x16xf32>,
      %swap3A_689 = vector.shape_cast %swap3A_688 : vector<1x16xf32> to vector<16xf32>
      %swap3A_690 = vector.shape_cast %add3A_685 : vector<16xf32> to vector<1x16xf32>
      tpu.vector_store %arg11[%swap3A_686, %swap3A_687], %swap3A_690 {strides = array<i32>} : memref<512x128xf32, #tpu.memory_space<vmem>>, vector<1x16xf32>,
      %mul3A_691 = arith.mulf %broadcast_in_dim3A_659, %get3A_58 : vector<16xf32>
      %add3A_692 = arith.addf %mul3A_691, %add3A_98 : vector<16xf32>
      %swap3A_693 = arith.index_cast %add3A_653 : i32 to index
      %swap3A_694 = arith.constant 80 : index
      %swap3A_695 = tpu.vector_load %arg11[%swap3A_693, %swap3A_694] {strides = array<i32>} : memref<512x128xf32, #tpu.memory_space<vmem>>, vector<1x16xf32>,
      %swap3A_696 = vector.shape_cast %swap3A_695 : vector<1x16xf32> to vector<16xf32>
      %swap3A_697 = vector.shape_cast %add3A_692 : vector<16xf32> to vector<1x16xf32>
      tpu.vector_store %arg11[%swap3A_693, %swap3A_694], %swap3A_697 {strides = array<i32>} : memref<512x128xf32, #tpu.memory_space<vmem>>, vector<1x16xf32>,
      %mul3A_698 = arith.mulf %broadcast_in_dim3A_662, %get3A_64 : vector<16xf32>
      %add3A_699 = arith.addf %mul3A_698, %add3A_112 : vector<16xf32>
      %swap3A_700 = arith.index_cast %add3A_653 : i32 to index
      %swap3A_701 = arith.constant 112 : index
      %swap3A_702 = tpu.vector_load %arg11[%swap3A_700, %swap3A_701] {strides = array<i32>} : memref<512x128xf32, #tpu.memory_space<vmem>>, vector<1x16xf32>,
      %swap3A_703 = vector.shape_cast %swap3A_702 : vector<1x16xf32> to vector<16xf32>
      %swap3A_704 = vector.shape_cast %add3A_699 : vector<16xf32> to vector<1x16xf32>
      tpu.vector_store %arg11[%swap3A_700, %swap3A_701], %swap3A_704 {strides = array<i32>} : memref<512x128xf32, #tpu.memory_space<vmem>>, vector<1x16xf32>,
      %add3A_705 = arith.constant 10 : i32
      %add3A_706 = arith.addi %mul3A_165, %add3A_705 : i32
      %slice3A_707 = vector.extract_strided_slice %get3A_168 {offsets = [10], sizes = [1], strides = [1]} : vector<16xf32> to vector<1xf32>
      %squeeze3A_708 = vector.extract %slice3A_707[0] : f32 from vector<1xf32>
      %broadcast_in_dim3A_709 = vector.broadcast %squeeze3A_708 : f32 to vector<16xf32>
      %slice3A_710 = vector.extract_strided_slice %get3A_173 {offsets = [10], sizes = [1], strides = [1]} : vector<16xf32> to vector<1xf32>
      %squeeze3A_711 = vector.extract %slice3A_710[0] : f32 from vector<1xf32>
      %broadcast_in_dim3A_712 = vector.broadcast %squeeze3A_711 : f32 to vector<16xf32>
      %slice3A_713 = vector.extract_strided_slice %get3A_178 {offsets = [10], sizes = [1], strides = [1]} : vector<16xf32> to vector<1xf32>
      %squeeze3A_714 = vector.extract %slice3A_713[0] : f32 from vector<1xf32>
      %broadcast_in_dim3A_715 = vector.broadcast %squeeze3A_714 : f32 to vector<16xf32>
      %mul3A_716 = arith.mulf %broadcast_in_dim3A_709, %get3A_49 : vector<16xf32>
      %add3A_717 = arith.addf %mul3A_716, %add3A_77 : vector<16xf32>
      %swap3A_718 = arith.index_cast %add3A_706 : i32 to index
      %swap3A_719 = arith.constant 32 : index
      %swap3A_720 = tpu.vector_load %arg11[%swap3A_718, %swap3A_719] {strides = array<i32>} : memref<512x128xf32, #tpu.memory_space<vmem>>, vector<1x16xf32>,
      %swap3A_721 = vector.shape_cast %swap3A_720 : vector<1x16xf32> to vector<16xf32>
      %swap3A_722 = vector.shape_cast %add3A_717 : vector<16xf32> to vector<1x16xf32>
      tpu.vector_store %arg11[%swap3A_718, %swap3A_719], %swap3A_722 {strides = array<i32>} : memref<512x128xf32, #tpu.memory_space<vmem>>, vector<1x16xf32>,
      %mul3A_723 = arith.mulf %broadcast_in_dim3A_712, %get3A_55 : vector<16xf32>
      %add3A_724 = arith.addf %mul3A_723, %add3A_91 : vector<16xf32>
      %swap3A_725 = arith.index_cast %add3A_706 : i32 to index
      %swap3A_726 = arith.constant 64 : index
      %swap3A_727 = tpu.vector_load %arg11[%swap3A_725, %swap3A_726] {strides = array<i32>} : memref<512x128xf32, #tpu.memory_space<vmem>>, vector<1x16xf32>,
      %swap3A_728 = vector.shape_cast %swap3A_727 : vector<1x16xf32> to vector<16xf32>
      %swap3A_729 = vector.shape_cast %add3A_724 : vector<16xf32> to vector<1x16xf32>
      tpu.vector_store %arg11[%swap3A_725, %swap3A_726], %swap3A_729 {strides = array<i32>} : memref<512x128xf32, #tpu.memory_space<vmem>>, vector<1x16xf32>,
      %mul3A_730 = arith.mulf %broadcast_in_dim3A_715, %get3A_61 : vector<16xf32>
      %add3A_731 = arith.addf %mul3A_730, %add3A_105 : vector<16xf32>
      %swap3A_732 = arith.index_cast %add3A_706 : i32 to index
      %swap3A_733 = arith.constant 96 : index
      %swap3A_734 = tpu.vector_load %arg11[%swap3A_732, %swap3A_733] {strides = array<i32>} : memref<512x128xf32, #tpu.memory_space<vmem>>, vector<1x16xf32>,
      %swap3A_735 = vector.shape_cast %swap3A_734 : vector<1x16xf32> to vector<16xf32>
      %swap3A_736 = vector.shape_cast %add3A_731 : vector<16xf32> to vector<1x16xf32>
      tpu.vector_store %arg11[%swap3A_732, %swap3A_733], %swap3A_736 {strides = array<i32>} : memref<512x128xf32, #tpu.memory_space<vmem>>, vector<1x16xf32>,
      %mul3A_737 = arith.mulf %broadcast_in_dim3A_709, %get3A_52 : vector<16xf32>
      %add3A_738 = arith.addf %mul3A_737, %add3A_84 : vector<16xf32>
      %swap3A_739 = arith.index_cast %add3A_706 : i32 to index
      %swap3A_740 = arith.constant 48 : index
      %swap3A_741 = tpu.vector_load %arg11[%swap3A_739, %swap3A_740] {strides = array<i32>} : memref<512x128xf32, #tpu.memory_space<vmem>>, vector<1x16xf32>,
      %swap3A_742 = vector.shape_cast %swap3A_741 : vector<1x16xf32> to vector<16xf32>
      %swap3A_743 = vector.shape_cast %add3A_738 : vector<16xf32> to vector<1x16xf32>
      tpu.vector_store %arg11[%swap3A_739, %swap3A_740], %swap3A_743 {strides = array<i32>} : memref<512x128xf32, #tpu.memory_space<vmem>>, vector<1x16xf32>,
      %mul3A_744 = arith.mulf %broadcast_in_dim3A_712, %get3A_58 : vector<16xf32>
      %add3A_745 = arith.addf %mul3A_744, %add3A_98 : vector<16xf32>
      %swap3A_746 = arith.index_cast %add3A_706 : i32 to index
      %swap3A_747 = arith.constant 80 : index
      %swap3A_748 = tpu.vector_load %arg11[%swap3A_746, %swap3A_747] {strides = array<i32>} : memref<512x128xf32, #tpu.memory_space<vmem>>, vector<1x16xf32>,
      %swap3A_749 = vector.shape_cast %swap3A_748 : vector<1x16xf32> to vector<16xf32>
      %swap3A_750 = vector.shape_cast %add3A_745 : vector<16xf32> to vector<1x16xf32>
      tpu.vector_store %arg11[%swap3A_746, %swap3A_747], %swap3A_750 {strides = array<i32>} : memref<512x128xf32, #tpu.memory_space<vmem>>, vector<1x16xf32>,
      %mul3A_751 = arith.mulf %broadcast_in_dim3A_715, %get3A_64 : vector<16xf32>
      %add3A_752 = arith.addf %mul3A_751, %add3A_112 : vector<16xf32>
      %swap3A_753 = arith.index_cast %add3A_706 : i32 to index
      %swap3A_754 = arith.constant 112 : index
      %swap3A_755 = tpu.vector_load %arg11[%swap3A_753, %swap3A_754] {strides = array<i32>} : memref<512x128xf32, #tpu.memory_space<vmem>>, vector<1x16xf32>,
      %swap3A_756 = vector.shape_cast %swap3A_755 : vector<1x16xf32> to vector<16xf32>
      %swap3A_757 = vector.shape_cast %add3A_752 : vector<16xf32> to vector<1x16xf32>
      tpu.vector_store %arg11[%swap3A_753, %swap3A_754], %swap3A_757 {strides = array<i32>} : memref<512x128xf32, #tpu.memory_space<vmem>>, vector<1x16xf32>,
      %add3A_758 = arith.constant 11 : i32
      %add3A_759 = arith.addi %mul3A_165, %add3A_758 : i32
      %slice3A_760 = vector.extract_strided_slice %get3A_168 {offsets = [11], sizes = [1], strides = [1]} : vector<16xf32> to vector<1xf32>
      %squeeze3A_761 = vector.extract %slice3A_760[0] : f32 from vector<1xf32>
      %broadcast_in_dim3A_762 = vector.broadcast %squeeze3A_761 : f32 to vector<16xf32>
      %slice3A_763 = vector.extract_strided_slice %get3A_173 {offsets = [11], sizes = [1], strides = [1]} : vector<16xf32> to vector<1xf32>
      %squeeze3A_764 = vector.extract %slice3A_763[0] : f32 from vector<1xf32>
      %broadcast_in_dim3A_765 = vector.broadcast %squeeze3A_764 : f32 to vector<16xf32>
      %slice3A_766 = vector.extract_strided_slice %get3A_178 {offsets = [11], sizes = [1], strides = [1]} : vector<16xf32> to vector<1xf32>
      %squeeze3A_767 = vector.extract %slice3A_766[0] : f32 from vector<1xf32>
      %broadcast_in_dim3A_768 = vector.broadcast %squeeze3A_767 : f32 to vector<16xf32>
      %mul3A_769 = arith.mulf %broadcast_in_dim3A_762, %get3A_49 : vector<16xf32>
      %add3A_770 = arith.addf %mul3A_769, %add3A_77 : vector<16xf32>
      %swap3A_771 = arith.index_cast %add3A_759 : i32 to index
      %swap3A_772 = arith.constant 32 : index
      %swap3A_773 = tpu.vector_load %arg11[%swap3A_771, %swap3A_772] {strides = array<i32>} : memref<512x128xf32, #tpu.memory_space<vmem>>, vector<1x16xf32>,
      %swap3A_774 = vector.shape_cast %swap3A_773 : vector<1x16xf32> to vector<16xf32>
      %swap3A_775 = vector.shape_cast %add3A_770 : vector<16xf32> to vector<1x16xf32>
      tpu.vector_store %arg11[%swap3A_771, %swap3A_772], %swap3A_775 {strides = array<i32>} : memref<512x128xf32, #tpu.memory_space<vmem>>, vector<1x16xf32>,
      %mul3A_776 = arith.mulf %broadcast_in_dim3A_765, %get3A_55 : vector<16xf32>
      %add3A_777 = arith.addf %mul3A_776, %add3A_91 : vector<16xf32>
      %swap3A_778 = arith.index_cast %add3A_759 : i32 to index
      %swap3A_779 = arith.constant 64 : index
      %swap3A_780 = tpu.vector_load %arg11[%swap3A_778, %swap3A_779] {strides = array<i32>} : memref<512x128xf32, #tpu.memory_space<vmem>>, vector<1x16xf32>,
      %swap3A_781 = vector.shape_cast %swap3A_780 : vector<1x16xf32> to vector<16xf32>
      %swap3A_782 = vector.shape_cast %add3A_777 : vector<16xf32> to vector<1x16xf32>
      tpu.vector_store %arg11[%swap3A_778, %swap3A_779], %swap3A_782 {strides = array<i32>} : memref<512x128xf32, #tpu.memory_space<vmem>>, vector<1x16xf32>,
      %mul3A_783 = arith.mulf %broadcast_in_dim3A_768, %get3A_61 : vector<16xf32>
      %add3A_784 = arith.addf %mul3A_783, %add3A_105 : vector<16xf32>
      %swap3A_785 = arith.index_cast %add3A_759 : i32 to index
      %swap3A_786 = arith.constant 96 : index
      %swap3A_787 = tpu.vector_load %arg11[%swap3A_785, %swap3A_786] {strides = array<i32>} : memref<512x128xf32, #tpu.memory_space<vmem>>, vector<1x16xf32>,
      %swap3A_788 = vector.shape_cast %swap3A_787 : vector<1x16xf32> to vector<16xf32>
      %swap3A_789 = vector.shape_cast %add3A_784 : vector<16xf32> to vector<1x16xf32>
      tpu.vector_store %arg11[%swap3A_785, %swap3A_786], %swap3A_789 {strides = array<i32>} : memref<512x128xf32, #tpu.memory_space<vmem>>, vector<1x16xf32>,
      %mul3A_790 = arith.mulf %broadcast_in_dim3A_762, %get3A_52 : vector<16xf32>
      %add3A_791 = arith.addf %mul3A_790, %add3A_84 : vector<16xf32>
      %swap3A_792 = arith.index_cast %add3A_759 : i32 to index
      %swap3A_793 = arith.constant 48 : index
      %swap3A_794 = tpu.vector_load %arg11[%swap3A_792, %swap3A_793] {strides = array<i32>} : memref<512x128xf32, #tpu.memory_space<vmem>>, vector<1x16xf32>,
      %swap3A_795 = vector.shape_cast %swap3A_794 : vector<1x16xf32> to vector<16xf32>
      %swap3A_796 = vector.shape_cast %add3A_791 : vector<16xf32> to vector<1x16xf32>
      tpu.vector_store %arg11[%swap3A_792, %swap3A_793], %swap3A_796 {strides = array<i32>} : memref<512x128xf32, #tpu.memory_space<vmem>>, vector<1x16xf32>,
      %mul3A_797 = arith.mulf %broadcast_in_dim3A_765, %get3A_58 : vector<16xf32>
      %add3A_798 = arith.addf %mul3A_797, %add3A_98 : vector<16xf32>
      %swap3A_799 = arith.index_cast %add3A_759 : i32 to index
      %swap3A_800 = arith.constant 80 : index
      %swap3A_801 = tpu.vector_load %arg11[%swap3A_799, %swap3A_800] {strides = array<i32>} : memref<512x128xf32, #tpu.memory_space<vmem>>, vector<1x16xf32>,
      %swap3A_802 = vector.shape_cast %swap3A_801 : vector<1x16xf32> to vector<16xf32>
      %swap3A_803 = vector.shape_cast %add3A_798 : vector<16xf32> to vector<1x16xf32>
      tpu.vector_store %arg11[%swap3A_799, %swap3A_800], %swap3A_803 {strides = array<i32>} : memref<512x128xf32, #tpu.memory_space<vmem>>, vector<1x16xf32>,
      %mul3A_804 = arith.mulf %broadcast_in_dim3A_768, %get3A_64 : vector<16xf32>
      %add3A_805 = arith.addf %mul3A_804, %add3A_112 : vector<16xf32>
      %swap3A_806 = arith.index_cast %add3A_759 : i32 to index
      %swap3A_807 = arith.constant 112 : index
      %swap3A_808 = tpu.vector_load %arg11[%swap3A_806, %swap3A_807] {strides = array<i32>} : memref<512x128xf32, #tpu.memory_space<vmem>>, vector<1x16xf32>,
      %swap3A_809 = vector.shape_cast %swap3A_808 : vector<1x16xf32> to vector<16xf32>
      %swap3A_810 = vector.shape_cast %add3A_805 : vector<16xf32> to vector<1x16xf32>
      tpu.vector_store %arg11[%swap3A_806, %swap3A_807], %swap3A_810 {strides = array<i32>} : memref<512x128xf32, #tpu.memory_space<vmem>>, vector<1x16xf32>,
      %add3A_811 = arith.constant 12 : i32
      %add3A_812 = arith.addi %mul3A_165, %add3A_811 : i32
      %slice3A_813 = vector.extract_strided_slice %get3A_168 {offsets = [12], sizes = [1], strides = [1]} : vector<16xf32> to vector<1xf32>
      %squeeze3A_814 = vector.extract %slice3A_813[0] : f32 from vector<1xf32>
      %broadcast_in_dim3A_815 = vector.broadcast %squeeze3A_814 : f32 to vector<16xf32>
      %slice3A_816 = vector.extract_strided_slice %get3A_173 {offsets = [12], sizes = [1], strides = [1]} : vector<16xf32> to vector<1xf32>
      %squeeze3A_817 = vector.extract %slice3A_816[0] : f32 from vector<1xf32>
      %broadcast_in_dim3A_818 = vector.broadcast %squeeze3A_817 : f32 to vector<16xf32>
      %slice3A_819 = vector.extract_strided_slice %get3A_178 {offsets = [12], sizes = [1], strides = [1]} : vector<16xf32> to vector<1xf32>
      %squeeze3A_820 = vector.extract %slice3A_819[0] : f32 from vector<1xf32>
      %broadcast_in_dim3A_821 = vector.broadcast %squeeze3A_820 : f32 to vector<16xf32>
      %mul3A_822 = arith.mulf %broadcast_in_dim3A_815, %get3A_49 : vector<16xf32>
      %add3A_823 = arith.addf %mul3A_822, %add3A_77 : vector<16xf32>
      %swap3A_824 = arith.index_cast %add3A_812 : i32 to index
      %swap3A_825 = arith.constant 32 : index
      %swap3A_826 = tpu.vector_load %arg11[%swap3A_824, %swap3A_825] {strides = array<i32>} : memref<512x128xf32, #tpu.memory_space<vmem>>, vector<1x16xf32>,
      %swap3A_827 = vector.shape_cast %swap3A_826 : vector<1x16xf32> to vector<16xf32>
      %swap3A_828 = vector.shape_cast %add3A_823 : vector<16xf32> to vector<1x16xf32>
      tpu.vector_store %arg11[%swap3A_824, %swap3A_825], %swap3A_828 {strides = array<i32>} : memref<512x128xf32, #tpu.memory_space<vmem>>, vector<1x16xf32>,
      %mul3A_829 = arith.mulf %broadcast_in_dim3A_818, %get3A_55 : vector<16xf32>
      %add3A_830 = arith.addf %mul3A_829, %add3A_91 : vector<16xf32>
      %swap3A_831 = arith.index_cast %add3A_812 : i32 to index
      %swap3A_832 = arith.constant 64 : index
      %swap3A_833 = tpu.vector_load %arg11[%swap3A_831, %swap3A_832] {strides = array<i32>} : memref<512x128xf32, #tpu.memory_space<vmem>>, vector<1x16xf32>,
      %swap3A_834 = vector.shape_cast %swap3A_833 : vector<1x16xf32> to vector<16xf32>
      %swap3A_835 = vector.shape_cast %add3A_830 : vector<16xf32> to vector<1x16xf32>
      tpu.vector_store %arg11[%swap3A_831, %swap3A_832], %swap3A_835 {strides = array<i32>} : memref<512x128xf32, #tpu.memory_space<vmem>>, vector<1x16xf32>,
      %mul3A_836 = arith.mulf %broadcast_in_dim3A_821, %get3A_61 : vector<16xf32>
      %add3A_837 = arith.addf %mul3A_836, %add3A_105 : vector<16xf32>
      %swap3A_838 = arith.index_cast %add3A_812 : i32 to index
      %swap3A_839 = arith.constant 96 : index
      %swap3A_840 = tpu.vector_load %arg11[%swap3A_838, %swap3A_839] {strides = array<i32>} : memref<512x128xf32, #tpu.memory_space<vmem>>, vector<1x16xf32>,
      %swap3A_841 = vector.shape_cast %swap3A_840 : vector<1x16xf32> to vector<16xf32>
      %swap3A_842 = vector.shape_cast %add3A_837 : vector<16xf32> to vector<1x16xf32>
      tpu.vector_store %arg11[%swap3A_838, %swap3A_839], %swap3A_842 {strides = array<i32>} : memref<512x128xf32, #tpu.memory_space<vmem>>, vector<1x16xf32>,
      %mul3A_843 = arith.mulf %broadcast_in_dim3A_815, %get3A_52 : vector<16xf32>
      %add3A_844 = arith.addf %mul3A_843, %add3A_84 : vector<16xf32>
      %swap3A_845 = arith.index_cast %add3A_812 : i32 to index
      %swap3A_846 = arith.constant 48 : index
      %swap3A_847 = tpu.vector_load %arg11[%swap3A_845, %swap3A_846] {strides = array<i32>} : memref<512x128xf32, #tpu.memory_space<vmem>>, vector<1x16xf32>,
      %swap3A_848 = vector.shape_cast %swap3A_847 : vector<1x16xf32> to vector<16xf32>
      %swap3A_849 = vector.shape_cast %add3A_844 : vector<16xf32> to vector<1x16xf32>
      tpu.vector_store %arg11[%swap3A_845, %swap3A_846], %swap3A_849 {strides = array<i32>} : memref<512x128xf32, #tpu.memory_space<vmem>>, vector<1x16xf32>,
      %mul3A_850 = arith.mulf %broadcast_in_dim3A_818, %get3A_58 : vector<16xf32>
      %add3A_851 = arith.addf %mul3A_850, %add3A_98 : vector<16xf32>
      %swap3A_852 = arith.index_cast %add3A_812 : i32 to index
      %swap3A_853 = arith.constant 80 : index
      %swap3A_854 = tpu.vector_load %arg11[%swap3A_852, %swap3A_853] {strides = array<i32>} : memref<512x128xf32, #tpu.memory_space<vmem>>, vector<1x16xf32>,
      %swap3A_855 = vector.shape_cast %swap3A_854 : vector<1x16xf32> to vector<16xf32>
      %swap3A_856 = vector.shape_cast %add3A_851 : vector<16xf32> to vector<1x16xf32>
      tpu.vector_store %arg11[%swap3A_852, %swap3A_853], %swap3A_856 {strides = array<i32>} : memref<512x128xf32, #tpu.memory_space<vmem>>, vector<1x16xf32>,
      %mul3A_857 = arith.mulf %broadcast_in_dim3A_821, %get3A_64 : vector<16xf32>
      %add3A_858 = arith.addf %mul3A_857, %add3A_112 : vector<16xf32>
      %swap3A_859 = arith.index_cast %add3A_812 : i32 to index
      %swap3A_860 = arith.constant 112 : index
      %swap3A_861 = tpu.vector_load %arg11[%swap3A_859, %swap3A_860] {strides = array<i32>} : memref<512x128xf32, #tpu.memory_space<vmem>>, vector<1x16xf32>,
      %swap3A_862 = vector.shape_cast %swap3A_861 : vector<1x16xf32> to vector<16xf32>
      %swap3A_863 = vector.shape_cast %add3A_858 : vector<16xf32> to vector<1x16xf32>
      tpu.vector_store %arg11[%swap3A_859, %swap3A_860], %swap3A_863 {strides = array<i32>} : memref<512x128xf32, #tpu.memory_space<vmem>>, vector<1x16xf32>,
      %add3A_864 = arith.constant 13 : i32
      %add3A_865 = arith.addi %mul3A_165, %add3A_864 : i32
      %slice3A_866 = vector.extract_strided_slice %get3A_168 {offsets = [13], sizes = [1], strides = [1]} : vector<16xf32> to vector<1xf32>
      %squeeze3A_867 = vector.extract %slice3A_866[0] : f32 from vector<1xf32>
      %broadcast_in_dim3A_868 = vector.broadcast %squeeze3A_867 : f32 to vector<16xf32>
      %slice3A_869 = vector.extract_strided_slice %get3A_173 {offsets = [13], sizes = [1], strides = [1]} : vector<16xf32> to vector<1xf32>
      %squeeze3A_870 = vector.extract %slice3A_869[0] : f32 from vector<1xf32>
      %broadcast_in_dim3A_871 = vector.broadcast %squeeze3A_870 : f32 to vector<16xf32>
      %slice3A_872 = vector.extract_strided_slice %get3A_178 {offsets = [13], sizes = [1], strides = [1]} : vector<16xf32> to vector<1xf32>
      %squeeze3A_873 = vector.extract %slice3A_872[0] : f32 from vector<1xf32>
      %broadcast_in_dim3A_874 = vector.broadcast %squeeze3A_873 : f32 to vector<16xf32>
      %mul3A_875 = arith.mulf %broadcast_in_dim3A_868, %get3A_49 : vector<16xf32>
      %add3A_876 = arith.addf %mul3A_875, %add3A_77 : vector<16xf32>
      %swap3A_877 = arith.index_cast %add3A_865 : i32 to index
      %swap3A_878 = arith.constant 32 : index
      %swap3A_879 = tpu.vector_load %arg11[%swap3A_877, %swap3A_878] {strides = array<i32>} : memref<512x128xf32, #tpu.memory_space<vmem>>, vector<1x16xf32>,
      %swap3A_880 = vector.shape_cast %swap3A_879 : vector<1x16xf32> to vector<16xf32>
      %swap3A_881 = vector.shape_cast %add3A_876 : vector<16xf32> to vector<1x16xf32>
      tpu.vector_store %arg11[%swap3A_877, %swap3A_878], %swap3A_881 {strides = array<i32>} : memref<512x128xf32, #tpu.memory_space<vmem>>, vector<1x16xf32>,
      %mul3A_882 = arith.mulf %broadcast_in_dim3A_871, %get3A_55 : vector<16xf32>
      %add3A_883 = arith.addf %mul3A_882, %add3A_91 : vector<16xf32>
      %swap3A_884 = arith.index_cast %add3A_865 : i32 to index
      %swap3A_885 = arith.constant 64 : index
      %swap3A_886 = tpu.vector_load %arg11[%swap3A_884, %swap3A_885] {strides = array<i32>} : memref<512x128xf32, #tpu.memory_space<vmem>>, vector<1x16xf32>,
      %swap3A_887 = vector.shape_cast %swap3A_886 : vector<1x16xf32> to vector<16xf32>
      %swap3A_888 = vector.shape_cast %add3A_883 : vector<16xf32> to vector<1x16xf32>
      tpu.vector_store %arg11[%swap3A_884, %swap3A_885], %swap3A_888 {strides = array<i32>} : memref<512x128xf32, #tpu.memory_space<vmem>>, vector<1x16xf32>,
      %mul3A_889 = arith.mulf %broadcast_in_dim3A_874, %get3A_61 : vector<16xf32>
      %add3A_890 = arith.addf %mul3A_889, %add3A_105 : vector<16xf32>
      %swap3A_891 = arith.index_cast %add3A_865 : i32 to index
      %swap3A_892 = arith.constant 96 : index
      %swap3A_893 = tpu.vector_load %arg11[%swap3A_891, %swap3A_892] {strides = array<i32>} : memref<512x128xf32, #tpu.memory_space<vmem>>, vector<1x16xf32>,
      %swap3A_894 = vector.shape_cast %swap3A_893 : vector<1x16xf32> to vector<16xf32>
      %swap3A_895 = vector.shape_cast %add3A_890 : vector<16xf32> to vector<1x16xf32>
      tpu.vector_store %arg11[%swap3A_891, %swap3A_892], %swap3A_895 {strides = array<i32>} : memref<512x128xf32, #tpu.memory_space<vmem>>, vector<1x16xf32>,
      %mul3A_896 = arith.mulf %broadcast_in_dim3A_868, %get3A_52 : vector<16xf32>
      %add3A_897 = arith.addf %mul3A_896, %add3A_84 : vector<16xf32>
      %swap3A_898 = arith.index_cast %add3A_865 : i32 to index
      %swap3A_899 = arith.constant 48 : index
      %swap3A_900 = tpu.vector_load %arg11[%swap3A_898, %swap3A_899] {strides = array<i32>} : memref<512x128xf32, #tpu.memory_space<vmem>>, vector<1x16xf32>,
      %swap3A_901 = vector.shape_cast %swap3A_900 : vector<1x16xf32> to vector<16xf32>
      %swap3A_902 = vector.shape_cast %add3A_897 : vector<16xf32> to vector<1x16xf32>
      tpu.vector_store %arg11[%swap3A_898, %swap3A_899], %swap3A_902 {strides = array<i32>} : memref<512x128xf32, #tpu.memory_space<vmem>>, vector<1x16xf32>,
      %mul3A_903 = arith.mulf %broadcast_in_dim3A_871, %get3A_58 : vector<16xf32>
      %add3A_904 = arith.addf %mul3A_903, %add3A_98 : vector<16xf32>
      %swap3A_905 = arith.index_cast %add3A_865 : i32 to index
      %swap3A_906 = arith.constant 80 : index
      %swap3A_907 = tpu.vector_load %arg11[%swap3A_905, %swap3A_906] {strides = array<i32>} : memref<512x128xf32, #tpu.memory_space<vmem>>, vector<1x16xf32>,
      %swap3A_908 = vector.shape_cast %swap3A_907 : vector<1x16xf32> to vector<16xf32>
      %swap3A_909 = vector.shape_cast %add3A_904 : vector<16xf32> to vector<1x16xf32>
      tpu.vector_store %arg11[%swap3A_905, %swap3A_906], %swap3A_909 {strides = array<i32>} : memref<512x128xf32, #tpu.memory_space<vmem>>, vector<1x16xf32>,
      %mul3A_910 = arith.mulf %broadcast_in_dim3A_874, %get3A_64 : vector<16xf32>
      %add3A_911 = arith.addf %mul3A_910, %add3A_112 : vector<16xf32>
      %swap3A_912 = arith.index_cast %add3A_865 : i32 to index
      %swap3A_913 = arith.constant 112 : index
      %swap3A_914 = tpu.vector_load %arg11[%swap3A_912, %swap3A_913] {strides = array<i32>} : memref<512x128xf32, #tpu.memory_space<vmem>>, vector<1x16xf32>,
      %swap3A_915 = vector.shape_cast %swap3A_914 : vector<1x16xf32> to vector<16xf32>
      %swap3A_916 = vector.shape_cast %add3A_911 : vector<16xf32> to vector<1x16xf32>
      tpu.vector_store %arg11[%swap3A_912, %swap3A_913], %swap3A_916 {strides = array<i32>} : memref<512x128xf32, #tpu.memory_space<vmem>>, vector<1x16xf32>,
      %add3A_917 = arith.constant 14 : i32
      %add3A_918 = arith.addi %mul3A_165, %add3A_917 : i32
      %slice3A_919 = vector.extract_strided_slice %get3A_168 {offsets = [14], sizes = [1], strides = [1]} : vector<16xf32> to vector<1xf32>
      %squeeze3A_920 = vector.extract %slice3A_919[0] : f32 from vector<1xf32>
      %broadcast_in_dim3A_921 = vector.broadcast %squeeze3A_920 : f32 to vector<16xf32>
      %slice3A_922 = vector.extract_strided_slice %get3A_173 {offsets = [14], sizes = [1], strides = [1]} : vector<16xf32> to vector<1xf32>
      %squeeze3A_923 = vector.extract %slice3A_922[0] : f32 from vector<1xf32>
      %broadcast_in_dim3A_924 = vector.broadcast %squeeze3A_923 : f32 to vector<16xf32>
      %slice3A_925 = vector.extract_strided_slice %get3A_178 {offsets = [14], sizes = [1], strides = [1]} : vector<16xf32> to vector<1xf32>
      %squeeze3A_926 = vector.extract %slice3A_925[0] : f32 from vector<1xf32>
      %broadcast_in_dim3A_927 = vector.broadcast %squeeze3A_926 : f32 to vector<16xf32>
      %mul3A_928 = arith.mulf %broadcast_in_dim3A_921, %get3A_49 : vector<16xf32>
      %add3A_929 = arith.addf %mul3A_928, %add3A_77 : vector<16xf32>
      %swap3A_930 = arith.index_cast %add3A_918 : i32 to index
      %swap3A_931 = arith.constant 32 : index
      %swap3A_932 = tpu.vector_load %arg11[%swap3A_930, %swap3A_931] {strides = array<i32>} : memref<512x128xf32, #tpu.memory_space<vmem>>, vector<1x16xf32>,
      %swap3A_933 = vector.shape_cast %swap3A_932 : vector<1x16xf32> to vector<16xf32>
      %swap3A_934 = vector.shape_cast %add3A_929 : vector<16xf32> to vector<1x16xf32>
      tpu.vector_store %arg11[%swap3A_930, %swap3A_931], %swap3A_934 {strides = array<i32>} : memref<512x128xf32, #tpu.memory_space<vmem>>, vector<1x16xf32>,
      %mul3A_935 = arith.mulf %broadcast_in_dim3A_924, %get3A_55 : vector<16xf32>
      %add3A_936 = arith.addf %mul3A_935, %add3A_91 : vector<16xf32>
      %swap3A_937 = arith.index_cast %add3A_918 : i32 to index
      %swap3A_938 = arith.constant 64 : index
      %swap3A_939 = tpu.vector_load %arg11[%swap3A_937, %swap3A_938] {strides = array<i32>} : memref<512x128xf32, #tpu.memory_space<vmem>>, vector<1x16xf32>,
      %swap3A_940 = vector.shape_cast %swap3A_939 : vector<1x16xf32> to vector<16xf32>
      %swap3A_941 = vector.shape_cast %add3A_936 : vector<16xf32> to vector<1x16xf32>
      tpu.vector_store %arg11[%swap3A_937, %swap3A_938], %swap3A_941 {strides = array<i32>} : memref<512x128xf32, #tpu.memory_space<vmem>>, vector<1x16xf32>,
      %mul3A_942 = arith.mulf %broadcast_in_dim3A_927, %get3A_61 : vector<16xf32>
      %add3A_943 = arith.addf %mul3A_942, %add3A_105 : vector<16xf32>
      %swap3A_944 = arith.index_cast %add3A_918 : i32 to index
      %swap3A_945 = arith.constant 96 : index
      %swap3A_946 = tpu.vector_load %arg11[%swap3A_944, %swap3A_945] {strides = array<i32>} : memref<512x128xf32, #tpu.memory_space<vmem>>, vector<1x16xf32>,
      %swap3A_947 = vector.shape_cast %swap3A_946 : vector<1x16xf32> to vector<16xf32>
      %swap3A_948 = vector.shape_cast %add3A_943 : vector<16xf32> to vector<1x16xf32>
      tpu.vector_store %arg11[%swap3A_944, %swap3A_945], %swap3A_948 {strides = array<i32>} : memref<512x128xf32, #tpu.memory_space<vmem>>, vector<1x16xf32>,
      %mul3A_949 = arith.mulf %broadcast_in_dim3A_921, %get3A_52 : vector<16xf32>
      %add3A_950 = arith.addf %mul3A_949, %add3A_84 : vector<16xf32>
      %swap3A_951 = arith.index_cast %add3A_918 : i32 to index
      %swap3A_952 = arith.constant 48 : index
      %swap3A_953 = tpu.vector_load %arg11[%swap3A_951, %swap3A_952] {strides = array<i32>} : memref<512x128xf32, #tpu.memory_space<vmem>>, vector<1x16xf32>,
      %swap3A_954 = vector.shape_cast %swap3A_953 : vector<1x16xf32> to vector<16xf32>
      %swap3A_955 = vector.shape_cast %add3A_950 : vector<16xf32> to vector<1x16xf32>
      tpu.vector_store %arg11[%swap3A_951, %swap3A_952], %swap3A_955 {strides = array<i32>} : memref<512x128xf32, #tpu.memory_space<vmem>>, vector<1x16xf32>,
      %mul3A_956 = arith.mulf %broadcast_in_dim3A_924, %get3A_58 : vector<16xf32>
      %add3A_957 = arith.addf %mul3A_956, %add3A_98 : vector<16xf32>
      %swap3A_958 = arith.index_cast %add3A_918 : i32 to index
      %swap3A_959 = arith.constant 80 : index
      %swap3A_960 = tpu.vector_load %arg11[%swap3A_958, %swap3A_959] {strides = array<i32>} : memref<512x128xf32, #tpu.memory_space<vmem>>, vector<1x16xf32>,
      %swap3A_961 = vector.shape_cast %swap3A_960 : vector<1x16xf32> to vector<16xf32>
      %swap3A_962 = vector.shape_cast %add3A_957 : vector<16xf32> to vector<1x16xf32>
      tpu.vector_store %arg11[%swap3A_958, %swap3A_959], %swap3A_962 {strides = array<i32>} : memref<512x128xf32, #tpu.memory_space<vmem>>, vector<1x16xf32>,
      %mul3A_963 = arith.mulf %broadcast_in_dim3A_927, %get3A_64 : vector<16xf32>
      %add3A_964 = arith.addf %mul3A_963, %add3A_112 : vector<16xf32>
      %swap3A_965 = arith.index_cast %add3A_918 : i32 to index
      %swap3A_966 = arith.constant 112 : index
      %swap3A_967 = tpu.vector_load %arg11[%swap3A_965, %swap3A_966] {strides = array<i32>} : memref<512x128xf32, #tpu.memory_space<vmem>>, vector<1x16xf32>,
      %swap3A_968 = vector.shape_cast %swap3A_967 : vector<1x16xf32> to vector<16xf32>
      %swap3A_969 = vector.shape_cast %add3A_964 : vector<16xf32> to vector<1x16xf32>
      tpu.vector_store %arg11[%swap3A_965, %swap3A_966], %swap3A_969 {strides = array<i32>} : memref<512x128xf32, #tpu.memory_space<vmem>>, vector<1x16xf32>,
      %add3A_970 = arith.constant 15 : i32
      %add3A_971 = arith.addi %mul3A_165, %add3A_970 : i32
      %slice3A_972 = vector.extract_strided_slice %get3A_168 {offsets = [15], sizes = [1], strides = [1]} : vector<16xf32> to vector<1xf32>
      %squeeze3A_973 = vector.extract %slice3A_972[0] : f32 from vector<1xf32>
      %broadcast_in_dim3A_974 = vector.broadcast %squeeze3A_973 : f32 to vector<16xf32>
      %slice3A_975 = vector.extract_strided_slice %get3A_173 {offsets = [15], sizes = [1], strides = [1]} : vector<16xf32> to vector<1xf32>
      %squeeze3A_976 = vector.extract %slice3A_975[0] : f32 from vector<1xf32>
      %broadcast_in_dim3A_977 = vector.broadcast %squeeze3A_976 : f32 to vector<16xf32>
      %slice3A_978 = vector.extract_strided_slice %get3A_178 {offsets = [15], sizes = [1], strides = [1]} : vector<16xf32> to vector<1xf32>
      %squeeze3A_979 = vector.extract %slice3A_978[0] : f32 from vector<1xf32>
      %broadcast_in_dim3A_980 = vector.broadcast %squeeze3A_979 : f32 to vector<16xf32>
      %mul3A_981 = arith.mulf %broadcast_in_dim3A_974, %get3A_49 : vector<16xf32>
      %add3A_982 = arith.addf %mul3A_981, %add3A_77 : vector<16xf32>
      %swap3A_983 = arith.index_cast %add3A_971 : i32 to index
      %swap3A_984 = arith.constant 32 : index
      %swap3A_985 = tpu.vector_load %arg11[%swap3A_983, %swap3A_984] {strides = array<i32>} : memref<512x128xf32, #tpu.memory_space<vmem>>, vector<1x16xf32>,
      %swap3A_986 = vector.shape_cast %swap3A_985 : vector<1x16xf32> to vector<16xf32>
      %swap3A_987 = vector.shape_cast %add3A_982 : vector<16xf32> to vector<1x16xf32>
      tpu.vector_store %arg11[%swap3A_983, %swap3A_984], %swap3A_987 {strides = array<i32>} : memref<512x128xf32, #tpu.memory_space<vmem>>, vector<1x16xf32>,
      %mul3A_988 = arith.mulf %broadcast_in_dim3A_977, %get3A_55 : vector<16xf32>
      %add3A_989 = arith.addf %mul3A_988, %add3A_91 : vector<16xf32>
      %swap3A_990 = arith.index_cast %add3A_971 : i32 to index
      %swap3A_991 = arith.constant 64 : index
      %swap3A_992 = tpu.vector_load %arg11[%swap3A_990, %swap3A_991] {strides = array<i32>} : memref<512x128xf32, #tpu.memory_space<vmem>>, vector<1x16xf32>,
      %swap3A_993 = vector.shape_cast %swap3A_992 : vector<1x16xf32> to vector<16xf32>
      %swap3A_994 = vector.shape_cast %add3A_989 : vector<16xf32> to vector<1x16xf32>
      tpu.vector_store %arg11[%swap3A_990, %swap3A_991], %swap3A_994 {strides = array<i32>} : memref<512x128xf32, #tpu.memory_space<vmem>>, vector<1x16xf32>,
      %mul3A_995 = arith.mulf %broadcast_in_dim3A_980, %get3A_61 : vector<16xf32>
      %add3A_996 = arith.addf %mul3A_995, %add3A_105 : vector<16xf32>
      %swap3A_997 = arith.index_cast %add3A_971 : i32 to index
      %swap3A_998 = arith.constant 96 : index
      %swap3A_999 = tpu.vector_load %arg11[%swap3A_997, %swap3A_998] {strides = array<i32>} : memref<512x128xf32, #tpu.memory_space<vmem>>, vector<1x16xf32>,
      %swap3A_1000 = vector.shape_cast %swap3A_999 : vector<1x16xf32> to vector<16xf32>
      %swap3A_1001 = vector.shape_cast %add3A_996 : vector<16xf32> to vector<1x16xf32>
      tpu.vector_store %arg11[%swap3A_997, %swap3A_998], %swap3A_1001 {strides = array<i32>} : memref<512x128xf32, #tpu.memory_space<vmem>>, vector<1x16xf32>,
      %mul3A_1002 = arith.mulf %broadcast_in_dim3A_974, %get3A_52 : vector<16xf32>
      %add3A_1003 = arith.addf %mul3A_1002, %add3A_84 : vector<16xf32>
      %swap3A_1004 = arith.index_cast %add3A_971 : i32 to index
      %swap3A_1005 = arith.constant 48 : index
      %swap3A_1006 = tpu.vector_load %arg11[%swap3A_1004, %swap3A_1005] {strides = array<i32>} : memref<512x128xf32, #tpu.memory_space<vmem>>, vector<1x16xf32>,
      %swap3A_1007 = vector.shape_cast %swap3A_1006 : vector<1x16xf32> to vector<16xf32>
      %swap3A_1008 = vector.shape_cast %add3A_1003 : vector<16xf32> to vector<1x16xf32>
      tpu.vector_store %arg11[%swap3A_1004, %swap3A_1005], %swap3A_1008 {strides = array<i32>} : memref<512x128xf32, #tpu.memory_space<vmem>>, vector<1x16xf32>,
      %mul3A_1009 = arith.mulf %broadcast_in_dim3A_977, %get3A_58 : vector<16xf32>
      %add3A_1010 = arith.addf %mul3A_1009, %add3A_98 : vector<16xf32>
      %swap3A_1011 = arith.index_cast %add3A_971 : i32 to index
      %swap3A_1012 = arith.constant 80 : index
      %swap3A_1013 = tpu.vector_load %arg11[%swap3A_1011, %swap3A_1012] {strides = array<i32>} : memref<512x128xf32, #tpu.memory_space<vmem>>, vector<1x16xf32>,
      %swap3A_1014 = vector.shape_cast %swap3A_1013 : vector<1x16xf32> to vector<16xf32>
      %swap3A_1015 = vector.shape_cast %add3A_1010 : vector<16xf32> to vector<1x16xf32>
      tpu.vector_store %arg11[%swap3A_1011, %swap3A_1012], %swap3A_1015 {strides = array<i32>} : memref<512x128xf32, #tpu.memory_space<vmem>>, vector<1x16xf32>,
      %mul3A_1016 = arith.mulf %broadcast_in_dim3A_980, %get3A_64 : vector<16xf32>
      %add3A_1017 = arith.addf %mul3A_1016, %add3A_112 : vector<16xf32>
      %swap3A_1018 = arith.index_cast %add3A_971 : i32 to index
      %swap3A_1019 = arith.constant 112 : index
      %swap3A_1020 = tpu.vector_load %arg11[%swap3A_1018, %swap3A_1019] {strides = array<i32>} : memref<512x128xf32, #tpu.memory_space<vmem>>, vector<1x16xf32>,
      %swap3A_1021 = vector.shape_cast %swap3A_1020 : vector<1x16xf32> to vector<16xf32>
      %swap3A_1022 = vector.shape_cast %add3A_1017 : vector<16xf32> to vector<1x16xf32>
      tpu.vector_store %arg11[%swap3A_1018, %swap3A_1019], %swap3A_1022 {strides = array<i32>} : memref<512x128xf32, #tpu.memory_space<vmem>>, vector<1x16xf32>,
    }
    %scan3A_117 = arith.constant 32 : i32
    %dma_wait3A = arith.constant 0 : i32
    %dma_wait3A_118 = arith.constant 0 : i32
    %dma_wait3A_119 = arith.constant 0 : i32
    %dma_wait3A_120 = tpu.memref_slice %arg10[%dma_wait3A_118, %dma_wait3A_119] : memref<512x32xf32, #tpu.memory_space<vmem>> -> memref<128x32xf32, #tpu.memory_space<vmem>>
    %dma_wait3A_121 = arith.constant 0 : i32
    %dma_wait3A_122 = tpu.memref_slice %arg7[%dma_wait3A, %dma_wait3A_121] : memref<4x128xi32, #tpu.memory_space<vmem>> -> memref<1x128xi32, #tpu.memory_space<vmem>>
    %dma_wait3A_123 = tpu.memref_squeeze %dma_wait3A_122 : memref<1x128xi32, #tpu.memory_space<vmem>> -> memref<128xi32, #tpu.memory_space<vmem>>
    %dma_wait3A_124 = arith.constant 0 : i32
    %dma_wait3A_125 = arith.constant 0 : i32
    %dma_wait3A_126 = tpu.memref_slice %arg4[%dma_wait3A_124, %dma_wait3A_125] : memref<1000001x32xf32, #tpu.memory_space<hbm>> -> memref<1000001x32xf32, #tpu.memory_space<hbm>>
    tpu.wait_indirect_dma semaphore(%arg12 : memref<!tpu.dma_semaphore, #tpu.memory_space<semaphore_mem>>) src(%dma_wait3A_126 : memref<1000001x32xf32, #tpu.memory_space<hbm>>) dst(%dma_wait3A_120 : memref<128x32xf32, #tpu.memory_space<vmem>>)
    %dma_wait3A_127 = arith.constant 1 : i32
    %dma_wait3A_128 = arith.constant 128 : i32
    %dma_wait3A_129 = arith.constant 0 : i32
    %dma_wait3A_130 = tpu.memref_slice %arg10[%dma_wait3A_128, %dma_wait3A_129] : memref<512x32xf32, #tpu.memory_space<vmem>> -> memref<128x32xf32, #tpu.memory_space<vmem>>
    %dma_wait3A_131 = arith.constant 0 : i32
    %dma_wait3A_132 = tpu.memref_slice %arg7[%dma_wait3A_127, %dma_wait3A_131] : memref<4x128xi32, #tpu.memory_space<vmem>> -> memref<1x128xi32, #tpu.memory_space<vmem>>
    %dma_wait3A_133 = tpu.memref_squeeze %dma_wait3A_132 : memref<1x128xi32, #tpu.memory_space<vmem>> -> memref<128xi32, #tpu.memory_space<vmem>>
    %dma_wait3A_134 = arith.constant 0 : i32
    %dma_wait3A_135 = arith.constant 0 : i32
    %dma_wait3A_136 = tpu.memref_slice %arg4[%dma_wait3A_134, %dma_wait3A_135] : memref<1000001x32xf32, #tpu.memory_space<hbm>> -> memref<1000001x32xf32, #tpu.memory_space<hbm>>
    tpu.wait_indirect_dma semaphore(%arg12 : memref<!tpu.dma_semaphore, #tpu.memory_space<semaphore_mem>>) src(%dma_wait3A_136 : memref<1000001x32xf32, #tpu.memory_space<hbm>>) dst(%dma_wait3A_130 : memref<128x32xf32, #tpu.memory_space<vmem>>)
    %dma_wait3A_137 = arith.constant 2 : i32
    %dma_wait3A_138 = arith.constant 256 : i32
    %dma_wait3A_139 = arith.constant 0 : i32
    %dma_wait3A_140 = tpu.memref_slice %arg10[%dma_wait3A_138, %dma_wait3A_139] : memref<512x32xf32, #tpu.memory_space<vmem>> -> memref<128x32xf32, #tpu.memory_space<vmem>>
    %dma_wait3A_141 = arith.constant 0 : i32
    %dma_wait3A_142 = tpu.memref_slice %arg7[%dma_wait3A_137, %dma_wait3A_141] : memref<4x128xi32, #tpu.memory_space<vmem>> -> memref<1x128xi32, #tpu.memory_space<vmem>>
    %dma_wait3A_143 = tpu.memref_squeeze %dma_wait3A_142 : memref<1x128xi32, #tpu.memory_space<vmem>> -> memref<128xi32, #tpu.memory_space<vmem>>
    %dma_wait3A_144 = arith.constant 0 : i32
    %dma_wait3A_145 = arith.constant 0 : i32
    %dma_wait3A_146 = tpu.memref_slice %arg4[%dma_wait3A_144, %dma_wait3A_145] : memref<1000001x32xf32, #tpu.memory_space<hbm>> -> memref<1000001x32xf32, #tpu.memory_space<hbm>>
    tpu.wait_indirect_dma semaphore(%arg12 : memref<!tpu.dma_semaphore, #tpu.memory_space<semaphore_mem>>) src(%dma_wait3A_146 : memref<1000001x32xf32, #tpu.memory_space<hbm>>) dst(%dma_wait3A_140 : memref<128x32xf32, #tpu.memory_space<vmem>>)
    %dma_wait3A_147 = arith.constant 3 : i32
    %dma_wait3A_148 = arith.constant 384 : i32
    %dma_wait3A_149 = arith.constant 0 : i32
    %dma_wait3A_150 = tpu.memref_slice %arg10[%dma_wait3A_148, %dma_wait3A_149] : memref<512x32xf32, #tpu.memory_space<vmem>> -> memref<128x32xf32, #tpu.memory_space<vmem>>
    %dma_wait3A_151 = arith.constant 0 : i32
    %dma_wait3A_152 = tpu.memref_slice %arg7[%dma_wait3A_147, %dma_wait3A_151] : memref<4x128xi32, #tpu.memory_space<vmem>> -> memref<1x128xi32, #tpu.memory_space<vmem>>
    %dma_wait3A_153 = tpu.memref_squeeze %dma_wait3A_152 : memref<1x128xi32, #tpu.memory_space<vmem>> -> memref<128xi32, #tpu.memory_space<vmem>>
    %dma_wait3A_154 = arith.constant 0 : i32
    %dma_wait3A_155 = arith.constant 0 : i32
    %dma_wait3A_156 = tpu.memref_slice %arg4[%dma_wait3A_154, %dma_wait3A_155] : memref<1000001x32xf32, #tpu.memory_space<hbm>> -> memref<1000001x32xf32, #tpu.memory_space<hbm>>
    tpu.wait_indirect_dma semaphore(%arg12 : memref<!tpu.dma_semaphore, #tpu.memory_space<semaphore_mem>>) src(%dma_wait3A_156 : memref<1000001x32xf32, #tpu.memory_space<hbm>>) dst(%dma_wait3A_150 : memref<128x32xf32, #tpu.memory_space<vmem>>)
    %scan3A_157 = arith.constant 0 : i32
    %scan3A_158 = arith.constant 0 : i32
    %scan3A_159 = arith.constant 512 : i32
    %scan3A_160 = arith.addi %scan3A_158, %scan3A_159 : i32
    %scan3A_161 = arith.constant 1 : i32
    scf.for %scan3A_163 = %scan3A_158 to %scan3A_160 step %scan3A_161  : i32 {
      %get3A_164 = arith.index_cast %scan3A_163 : i32 to index
      %get3A_165 = arith.constant 0 : index
      %get3A_166 = tpu.vector_load %arg10[%get3A_164, %get3A_165] {strides = array<i32>} : memref<512x32xf32, #tpu.memory_space<vmem>>, vector<1x16xf32>,
      %get3A_167 = vector.shape_cast %get3A_166 : vector<1x16xf32> to vector<16xf32>
      %add3A_168 = arith.addf %get3A_167, %get3A_67 : vector<16xf32>
      %swap3A = arith.index_cast %scan3A_163 : i32 to index
      %swap3A_169 = arith.constant 0 : index
      %swap3A_170 = tpu.vector_load %arg11[%swap3A, %swap3A_169] {strides = array<i32>} : memref<512x128xf32, #tpu.memory_space<vmem>>, vector<1x16xf32>,
      %swap3A_171 = vector.shape_cast %swap3A_170 : vector<1x16xf32> to vector<16xf32>
      %swap3A_172 = vector.shape_cast %add3A_168 : vector<16xf32> to vector<1x16xf32>
      tpu.vector_store %arg11[%swap3A, %swap3A_169], %swap3A_172 {strides = array<i32>} : memref<512x128xf32, #tpu.memory_space<vmem>>, vector<1x16xf32>,
      %get3A_173 = arith.index_cast %scan3A_163 : i32 to index
      %get3A_174 = arith.constant 16 : index
      %get3A_175 = tpu.vector_load %arg10[%get3A_173, %get3A_174] {strides = array<i32>} : memref<512x32xf32, #tpu.memory_space<vmem>>, vector<1x16xf32>,
      %get3A_176 = vector.shape_cast %get3A_175 : vector<1x16xf32> to vector<16xf32>
      %add3A_177 = arith.addf %get3A_176, %get3A_70 : vector<16xf32>
      %swap3A_178 = arith.index_cast %scan3A_163 : i32 to index
      %swap3A_179 = arith.constant 16 : index
      %swap3A_180 = tpu.vector_load %arg11[%swap3A_178, %swap3A_179] {strides = array<i32>} : memref<512x128xf32, #tpu.memory_space<vmem>>, vector<1x16xf32>,
      %swap3A_181 = vector.shape_cast %swap3A_180 : vector<1x16xf32> to vector<16xf32>
      %swap3A_182 = vector.shape_cast %add3A_177 : vector<16xf32> to vector<1x16xf32>
      tpu.vector_store %arg11[%swap3A_178, %swap3A_179], %swap3A_182 {strides = array<i32>} : memref<512x128xf32, #tpu.memory_space<vmem>>, vector<1x16xf32>,
    }
    %scan3A_162 = arith.constant 512 : i32
    "tpu.region"() ({
      %run_scoped3A = tpu.sem_alloc : memref<!tpu.dma_semaphore, #tpu.memory_space<semaphore_mem>>
      %dma_start3A_163 = arith.constant 0 : i32
      %dma_start3A_164 = tpu.memref_slice %arg6[%mul3A_2, %dma_start3A_163] : memref<16384x128xf32, #tpu.memory_space<hbm>> -> memref<512x128xf32, #tpu.memory_space<hbm>>
      %dma_start3A_165 = arith.constant 0 : i32
      %dma_start3A_166 = tpu.memref_slice %arg6[%mul3A_2, %dma_start3A_165] : memref<16384x128xf32, #tpu.memory_space<hbm>> -> memref<512x128xf32, #tpu.memory_space<hbm>>
      tpu.enqueue_dma source(%arg11 : memref<512x128xf32, #tpu.memory_space<vmem>>) target(%dma_start3A_166 : memref<512x128xf32, #tpu.memory_space<hbm>>) target_semaphore(%run_scoped3A : memref<!tpu.dma_semaphore, #tpu.memory_space<semaphore_mem>>)
      %dma_wait3A_167 = arith.constant 0 : i32
      %dma_wait3A_168 = tpu.memref_slice %arg6[%mul3A_2, %dma_wait3A_167] : memref<16384x128xf32, #tpu.memory_space<hbm>> -> memref<512x128xf32, #tpu.memory_space<hbm>>
      %dma_wait3A_169 = arith.constant 0 : i32
      %dma_wait3A_170 = tpu.memref_slice %arg6[%mul3A_2, %dma_wait3A_169] : memref<16384x128xf32, #tpu.memory_space<hbm>> -> memref<512x128xf32, #tpu.memory_space<hbm>>
      tpu.wait_dma2 semaphore(%run_scoped3A : memref<!tpu.dma_semaphore, #tpu.memory_space<semaphore_mem>>) src(%arg11 : memref<512x128xf32, #tpu.memory_space<vmem>>) dst(%dma_wait3A_170 : memref<512x128xf32, #tpu.memory_space<hbm>>)
      tpu.yield
    }) : () -> ()
    return
  }
}

</mosaic_0001>

<sc_bundles>
// kernel: _tokenize.3.cloned.1.call-start
scs
__scs_entry_jumppad:
0x0: {  	(pc) =	sbr.rel $0x88, $3  }
0x1: {  	(tag) =	ssettag $0x0;
	lr =	simm.s32 $0x1  }
0x2: {  	[smem:$0x3F9D] =	sst lr;
	_ =	strace $0xD0000000  }
0x3: {  	_ = 	snop  }
0x4: {  	_ = 	snop  }
0x5: {  	_ = 	snop  }
0x6: {  	_ = 	snop  }
0x7: {  	_ = 	snop  }
__scs_overlays_trampoline_lowered:
0x8: {  	[smem:$0x3FAC] =	sst s0  }
0x9: {  	[smem:$0x3FAD] =	sst s1  }
0xa: {  	[smem:$0x3FAE] =	sst s2  }
0xb: {  	[smem:$0x3FAF] =	sst s3  }
0xc: {  	[smem:$0x3FB0] =	sst s4  }
0xd: {  	[smem:$0x3FB1] =	sst s5  }
0xe: {  	[smem:$0x3FB2] =	sst s6  }
0xf: {  	[smem:$0x3FB3] =	sst s7  }
0x10: {  	[smem:$0x3FB4] =	sst s8  }
0x11: {  	[smem:$0x3FB5] =	sst s9;
	s0 =	simm.s32 @!p0 $0x0  }
0x12: {  	s1 =	sld [smem:$0x3F9B];
	s0 =	simm.s32 @p0 $0x1  }
0x13: {  	[smem:$0x3FB6] =	sst s0;
	s0 =	simm.s32 @!p1 $0x0  }
0x14: {  	s2 =	sld [smem:$0x3F9A];
	s0 =	simm.s32 @p1 $0x1  }
0x15: {  	[smem:$0x3FB7] =	sst s0;
	s0 =	simm.s32 @!p2 $0x0  }
0x16: {  	s3 =	sld [smem:$0x3FDB];
	s0 =	simm.s32 @p2 $0x1  }
0x17: {  	s4 =	simm.s32 $0x1BF5;
	[smem:$0x3FB9] =	sst s0  }
0x18: {  	s0 =	sld [smem:$0x3F9C];
	_ =	swait.ge [sflag:s4], $0x0  }
0x19: {  	s7 =	sld [smem:$0x3F9D]  }
0x1a: {  	s8 =	sadd.s32 $0xFFFFE003, lr  }
0x1b: {  	s9 =	sadd.s32 $0xFFFFFEF7, lr;
	s5 =	simm.s32 $0xFFFFFFFF;
	p2 =	slt.u32 s8, $0xFFFFF086  }
0x1c: {  	p1 =	slt.u32 s9, $0xF7A;
	s5 =	simm.s32 @!p2 $0x0  }
0x1d: {  	s5 =	simm.s32 @p1 $0x1;
	p0 =	seq.s32 s7, s2  }
0x1e: {  	s7 =	smul.u32 @!p0 $0xF7A, s2;
	p2 =	seq.s32 @!p0 s5, $0x0  }
0x1f: {  	s9 =	smul.u32 $0xF7A, s1;
	s8 =	simm.s32 @!p0 $0x1BF5;
	p2 =	por !p2, p0  }
0x20: {  	[sflag:s8] =	ssyncset.s32 @!p0 $0xFFFFF086;
	s6 =	sadd.s32 @!p0 s3, s7;
	s7 =	simm.s32 @!p0 $0x108  }
0x21: {  	s3 =	sadd.s32 s3, s9;
	s6 =	sadd.s32 @!p0 $0x88, s6;
	s7 =	simm.s32 @p2 $0x1082  }
0x22: {  	[simem:s7], [sflag:s8] =	dma.local @!p0 [hbm:s6], $0xF7A  }
0x23: {  	s9 =	sor.u32 $0xD0000000, s2;
	s6 =	simm.s32 $0x108;
	_ =	swait.ge @!p0 [sflag:s8], $0x0  }
0x24: {  	s3 =	sadd.s32 $0x88, s3;
	s6 =	simm.s32 @!p1 $0x1082;
	[sflag:s4] =	ssyncset.s32 $0xFFFFF086  }
0x25: {  	[simem:s6], [sflag:s4] =	dma.local [hbm:s3], $0xF7A  }
0x26: {  	[smem:$0x3F9D] =	sst s1;
	(tag) =	ssettag s2;
	_ =	strace s9  }
0x27: {  	s1 =	sld [smem:$0x3FAD]  }
0x28: {  	s2 =	sld [smem:$0x3FAE]  }
0x29: {  	s4 =	sld [smem:$0x3FB0]  }
0x2a: {  	p0 =	seq.s32 s5, $0x0;
	s5 =	sld [smem:$0x3FB1]  }
0x2b: {  	s6 =	sld [smem:$0x3FB2]  }
0x2c: {  	s7 =	sld [smem:$0x3FB3]  }
0x2d: {  	s3 =	simm.s32 $0x108;
	s8 =	sld [smem:$0x3FB4]  }
0x2e: {  	s3 =	simm.s32 @!p0 $0x1082;
	s9 =	sld [smem:$0x3FB5]  }
0x2f: {  	lr =	sadd.s32 s0, s3;
	s0 =	sld [smem:$0x3FAC]  }
0x30: {  	s3 =	sld [smem:$0x3FAF]  }
0x31: {  	[smem:$0x3FB8] =	sst s10  }
0x32: {  	s10 =	sld [smem:$0x3FB6];
	_ =	sdelay $0x3  }
0x33: {  	p0 =	seq.s32 s10, $0x1;
	s10 =	sld [smem:$0x3FB8];
	_ =	sdelay $0x3  }
0x34: {  	[smem:$0x3FB8] =	sst s10  }
0x35: {  	s10 =	sld [smem:$0x3FB7];
	_ =	sdelay $0x3  }
0x36: {  	p1 =	seq.s32 s10, $0x1;
	s10 =	sld [smem:$0x3FB8];
	_ =	sdelay $0x3  }
0x37: {  	[smem:$0x3FB8] =	sst s10  }
0x38: {  	s10 =	sld [smem:$0x3FB9]  }
0x39: {  	_ = 	snop;
	(pc) =	sbr.ind lr, $3  }
0x3a: {  	_ = 	snop  }
0x3b: {  	_ = 	snop  }
0x3c: {  	p2 =	seq.s32 s10, $0x1;
	s10 =	sld [smem:$0x3FB8]  }
0x3d: {  	_ =	shalt  }
0x3e: {  	_ =	shalt  }
0x3f: {  	_ =	shalt  }
0x40: {  	_ =	shalt  }
0x41: {  	_ =	shalt  }
0x42: {  	_ =	shalt  }
0x43: {  	_ =	shalt  }
0x44: {  	_ =	shalt  }
0x45: {  	_ =	shalt  }
0x46: {  	_ =	shalt  }
0x47: {  	_ =	shalt  }
0x48: {  	_ =	shalt  }
0x49: {  	_ =	shalt  }
0x4a: {  	_ =	shalt  }
0x4b: {  	_ =	shalt  }
0x4c: {  	_ =	shalt  }
0x4d: {  	_ =	shalt  }
0x4e: {  	_ =	shalt  }
0x4f: {  	_ =	shalt  }
0x50: {  	_ =	shalt  }
0x51: {  	_ =	shalt  }
0x52: {  	_ =	shalt  }
0x53: {  	_ =	shalt  }
0x54: {  	_ =	shalt  }
0x55: {  	_ =	shalt  }
0x56: {  	_ =	shalt  }
0x57: {  	_ =	shalt  }
0x58: {  	_ =	shalt  }
0x59: {  	_ =	shalt  }
0x5a: {  	_ =	shalt  }
0x5b: {  	_ =	shalt  }
0x5c: {  	_ =	shalt  }
0x5d: {  	_ =	shalt  }
0x5e: {  	_ =	shalt  }
0x5f: {  	_ =	shalt  }
0x60: {  	_ =	shalt  }
0x61: {  	_ =	shalt  }
0x62: {  	_ =	shalt  }
0x63: {  	_ =	shalt  }
0x64: {  	_ =	shalt  }
0x65: {  	_ =	shalt  }
0x66: {  	_ =	shalt  }
0x67: {  	_ =	shalt  }
0x68: {  	_ =	shalt  }
0x69: {  	_ =	shalt  }
0x6a: {  	_ =	shalt  }
0x6b: {  	_ =	shalt  }
0x6c: {  	_ =	shalt  }
0x6d: {  	_ =	shalt  }
0x6e: {  	_ =	shalt  }
0x6f: {  	_ =	shalt  }
0x70: {  	_ =	shalt  }
0x71: {  	_ =	shalt  }
0x72: {  	_ =	shalt  }
0x73: {  	_ =	shalt  }
0x74: {  	_ =	shalt  }
0x75: {  	_ =	shalt  }
0x76: {  	_ =	shalt  }
0x77: {  	_ =	shalt  }
0x78: {  	_ =	shalt  }
0x79: {  	_ =	shalt  }
0x7a: {  	_ =	shalt  }
0x7b: {  	_ =	shalt  }
0x7c: {  	_ =	shalt  }
0x7d: {  	_ =	shalt  }
0x7e: {  	_ =	shalt  }
0x7f: {  	_ =	shalt  }
0x80: {  	_ =	shalt  }
0x81: {  	_ =	shalt  }
0x82: {  	_ =	shalt  }
0x83: {  	_ =	shalt  }
0x84: {  	_ =	shalt  }
0x85: {  	_ =	shalt  }
0x86: {  	_ =	shalt  }
0x87: {  	_ =	shalt  }
.Lfunc_end0:
.L_simem_size_0:
called_computation_lowered:
.L_overlay_start_0:
0x88: {  	s2 =	sld [smem:$0x3FD9]  }
0x89: {  	s3 =	sld [smem:$0x3FFE];
	_ =	sdelay $0x1  }
0x8a: {  	s1 =	srdreg.scid  }
0x8b: {  	s0 =	sand.u32 $0x1, s1  }
0x8c: {  	s17 =	sshll.u32 s0, $0xA;
	s2 =	sadd.s32 s3, s2  }
0x8d: {  	s2 =	sadd.s32 s2, s17  }
0x8e: {  	[smem:$0x3FC4] =	sst s2  }
0x8f: {  	_ = 	snop  }
0x90: {  	s2 =	sld [smem:$0x3FC9]  }
0x91: {  	s18 =	sld [smem:$0x3FC8]  }
0x92: {  	s4 =	sld [smem:$0x3FC6]  }
0x93: {  	s5 =	sld [smem:$0x3FD0];
	(tm) =	ssettm $0x1  }
0x94: {  	s6 =	sld [smem:$0x3FFB];
	_ =	sdelay $0x3  }
0x95: {  	_ =	strace s6  }
0x96: {  	s6 =	sld [smem:$0x3FFC];
	_ =	sdelay $0x3  }
0x97: {  	_ =	strace s6  }
0x98: {  	s6 =	sld [smem:$0x3FFD];
	_ =	sdelay $0x3  }
0x99: {  	_ =	strace s6  }
0x9a: {  	_ =	strace $0x8FFFFFFF  }
0x9b: {  	s19 =	sld [smem:$0x3FDB];
	_ =	sdelay $0x1  }
0x9c: {  	s7 =	simm.s32 $_scs_section_size  }
0x9d: {  	s8 =	simm.s32 $_size__tile_overlayer_lowered;
	s9 =	simm.s32 $_tile_overlayer_lowered  }
0x9e: {  	s22 =	simm.s32 $0x1BFF;
	s21 =	sshll.u32 s9, $0x1;
	s6 =	sadd.s32 s7, s19  }
0x9f: {  	s10 =	simm.s32 $0x0;
	s20 =	sshll.u32 s8, $0x1;
	s8 =	sadd.s32 s21, s6  }
0xa0: {  	[timem:s10], [sflag:s22] =	dma.local [hbm:s8], s20  }
0xa1: {  	_ =	swait.ge [sflag:s22], s20  }
0xa2: {  	s7 =	ssub.s32 $0x0, s20;
	[sflag:s22] =	ssyncset.done $0x0  }
0xa3: {  	[sflag:s22] =	ssyncadd.s32 s7;
	_ =	sdelay $0x1  }
0xa4: {  	s23 =	simm.s32 $0x1B8B  }
0xa5: {  	_ =	swait.ge [sflag:s23], $0x1  }
0xa6: {  	[sflag:s23] =	ssyncset.done $0x0  }
0xa7: {  	s25 =	simm.s32 $0x1B8E;
	s24 =	sld [smem:$0x3FFE];
	[sflag:s23] =	ssyncadd.s32 $0xFFFFFFFF  }
0xa8: {  	s26 =	simm.s32 $execute0_lowered;
	[smem:$0x3FD2] =	sst s25  }
0xa9: {  	s8 =	sshll.u32 s26, $0x1;
	_ =	strace $0x80000046;
	[dreg:$0x1] =	wrdreg $0xFFFFFFFF  }
0xaa: {  	s28 =	simm.s32 $_size_execute0_lowered;
	s6 =	sadd.s32 s6, s8;
	[dreg:$0x0] =	wrdreg $0x0  }
0xab: {  	s8 =	sshll.u32 s28, $0x1;
	[dreg:$0x2] =	wrdreg s6  }
0xac: {  	[dreg:$0x3] =	wrdreg s8  }
0xad: {  	[dreg:$0x4] =	wrdreg $0xC0  }
0xae: {  	_ =	task [dreg:s10], $0x5FFFF  }
0xaf: {  	[dreg:$0x1] =	wrdreg $0xFFFFFFFF  }
0xb0: {  	[dreg:$0x0] =	wrdreg $0x60  }
0xb1: {  	[dreg:$0x2] =	wrdreg s2  }
0xb2: {  	[dreg:$0x3] =	wrdreg s18  }
0xb3: {  	[dreg:$0x4] =	wrdreg s24  }
0xb4: {  	[dreg:$0x5] =	wrdreg s4  }
0xb5: {  	[dreg:$0x6] =	wrdreg s5  }
0xb6: {  	[dreg:$0x7] =	wrdreg $0x9  }
0xb7: {  	_ =	task.clear_ibuf [dreg:s10], $0x8FFFF;
	_ =	strace $0x90000046  }
0xb8: {  	s29 =	simm.s32 $0x9;
	_ =	strace $0x80000048  }
0xb9: {  	_ =	swait.ge [sflag:s29], $0x1  }
0xba: {  	[sflag:s29] =	ssyncadd.s32 $0xFFFFFFFF  }
0xbb: {  	_ =	strace $0x90000048  }
0xbc: {  	_ =	sfence  }
0xbd: {  	s30 =	sld [smem:$0x0];
	_ =	sdelay $0x2  }
0xbe: {  	s31 =	sshll.u32 s1, $0xD;
	s1 =	sshrl.u32 s1, $0x2  }
0xbf: {  	s3 =	sand.u32 $0x4000, s31;
	s1 =	sadd.s32 s1, s30  }
0xc0: {  	s0 =	sor.u32 s3, s0;
	s1 =	sshll.u32 s1, $0x11  }
0xc1: {  	s0 =	sor.u32 s1, s0  }
0xc2: {  	s0 =	sadd.s32 $0x8F2B, s0  }
0xc3: {  	[sflag:s0] =	ssyncadd.remote.s32 $0x1  }
0xc4: {  	_ =	sfence.sel $0xFFFF  }
0xc5: {  	[dreg:$0x0] =	wrdreg $0xFFFFFFFF;
	(pc) =	sbr.abs _section_cstart, $3  }
0xc6: {  	[dreg:$0x1] =	wrdreg $0xFFFFFFFF  }
0xc7: {  	_ =	task.clear_ibuf [dreg:s10], $0x2FFFF;
	_ =	strace $0x9FFFFFFF  }
0xc8: {  	(tm) =	ssettm $0x7FFFFFFF  }
0xc9: {  	_ =	shalt  }
tec
execute0_lowered:
.L_overlay_start_1:
0x0: {  	(tag) =	ssettag $0x1  }
0x1: {  	s5 =	rddreg [dreg:$0x0]  }
0x2: {  	s6 =	rddreg [dreg:$0x1]  }
0x3: {  	s4 =	rddreg [dreg:$0x2]  }
0x4: {  	s2 =	rddreg [dreg:$0x3]  }
0x5: {  	s7 =	rddreg [dreg:$0x4]  }
0x6: {  	s0 =	rddreg [dreg:$0x5]  }
0x7: {  	s8 =	srdreg.scid;
	s1 =	stileid.u32  }
0x8: {  	s3 =	simm.s32 $0x0;
	s12 =	simm.s32 $0x80;
	s13 =	simm.s32 $0x940  }
0x9: {  	s14 =	simm.s32 $0x1940;
	s15 =	simm.s32 $0x100;
	s16 =	simm.s32 $0x2940  }
0xa: {  	s17 =	simm.s32 $0x180;
	s18 =	simm.s32 $0x3940;
	s19 =	simm.s32 $0x1  }
0xb: {  	s20 =	simm.s32 $0x4940;
	s21 =	simm.s32 $0x0;
	s8 =	sand.u32 $0x1, s8  }
0xc: {  	s9 =	sshll.u32 s1, $0x1;
	[smem:$0x7FF] =	sst s3;
	s4 =	sadd.s32 $0xF42A00, s4  }
0xd: {  	s10 =	ssub.s32 $0x2, s8;
	s8 =	sor.u32 s8, s9;
	_ =	strace $0x80000047  }
0xe: {  	s30 =	sshrl.u32 s10, $0x1;
	s11 =	smul.u32 $0xC0, s8;
	s31 =	sshll.u32 s8, $0x6  }
0xf: {  	s8 =	sshll.u32 s8, $0xD;
	s9 =	ssub.s32 s10, s30;
	s5 =	sadd.s32 s5, s31  }
0x10: {  	s7 =	sadd.s32 s7, s8;
	s10 =	simm.s32 $0x200;
	s6 =	sadd.s32 s6, s11  }
0x11: {  	s8 =	smax.u32 s9, $0x1;
	s9 =	simm.s32 $0x2;
	s11 =	simm.s32 $0x800  }
.LBB2_1:
0x12: {  	[tilespmem:s3], [sflag:$0x2] =	stream.linear.gather [hbm4b:s5+s3], $0x200, $0x38;
	[tilespmem:$0x14940] =	vst v63  }
0x13: {  	_ =	swait.ge [sflag:s9], $0x200  }
0x14: {  	[sflag:s9] =	ssyncset.done $0x0  }
0x15: {  	[sflag:s9] =	ssyncadd.s32 $0xFFFFFE00  }
0x16: {  	[tilespmem:s10], [sflag:$0x2] =	stream.linear.gather [hbm4b:s6+s3], $0x600, $0x38;
	[tilespmem:$0x14940] =	vst v63  }
0x17: {  	_ =	swait.ge [sflag:s9], $0x600  }
0x18: {  	[sflag:s9] =	ssyncset.done $0x0  }
0x19: {  	[sflag:s9] =	ssyncadd.s32 $0xFFFFFA00  }
0x1a: {  	[tilespmem:s11], [sflag:$0x2] =	stream.linear.gather [hbm4b:s2+s3], $0x140, $0x38;
	[tilespmem:$0x14940] =	vst v63  }
0x1b: {  	_ =	swait.ge [sflag:s9], $0x140  }
0x1c: {  	[sflag:s9] =	ssyncset.done $0x0  }
0x1d: {  	[sflag:s9] =	ssyncadd.s32 $0xFFFFFEC0  }
0x1e: {  	[tilespmem:s13], [sflag:$0x1] =	stream.indirect.gather [hbm4b:s4+s12], $0x20, s3, s12, $0xb8;
	[tilespmem:$0x14940] =	vst v63  }
0x1f: {  	_ = 	snop  }
0x20: {  	[tilespmem:s14], [sflag:$0x1] =	stream.indirect.gather [hbm4b:s4+s12], $0x20, s12, s12, $0xb8;
	[tilespmem:$0x14940] =	vst v63  }
0x21: {  	_ = 	snop  }
0x22: {  	[tilespmem:s16], [sflag:$0x1] =	stream.indirect.gather [hbm4b:s4+s12], $0x20, s15, s12, $0xb8;
	[tilespmem:$0x14940] =	vst v63  }
0x23: {  	_ = 	snop  }
0x24: {  	[tilespmem:s18], [sflag:$0x1] =	stream.indirect.gather [hbm4b:s4+s12], $0x20, s17, s12, $0xb8;
	[tilespmem:$0x14940] =	vst v63  }
0x25: {  	v6 =	vld [tilespmem:$0x800]  }
0x26: {  	v8 =	vld [tilespmem:$0x810]  }
0x27: {  	v9 =	vld [tilespmem:$0x840]  }
0x28: {  	v7 =	vld [tilespmem:$0x850]  }
0x29: {  	v3 =	vld [tilespmem:$0x880]  }
0x2a: {  	v2 =	vld [tilespmem:$0x890]  }
0x2b: {  	v1 =	vld [tilespmem:$0x8C0]  }
0x2c: {  	v0 =	vld [tilespmem:$0x8D0]  }
0x2d: {  	v10 =	vld [tilespmem:$0x820]  }
0x2e: {  	v11 =	vld [tilespmem:$0x8E0]  }
0x2f: {  	s23 =	simm.s32 $0x0;
	v5 =	vld [tilespmem:$0x8A0]  }
0x30: {  	v15 =	vld [tilespmem:s23+$0x600]  }
0x31: {  	v4 =	vld [tilespmem:$0x8B0]  }
0x32: {  	v13 =	vld [tilespmem:$0x930]  }
0x33: {  	v16 =	vld [tilespmem:$0x920]  }
0x34: {  	v12 =	vld [tilespmem:$0x830]  }
0x35: {  	v17 =	vld [tilespmem:$0x8F0];
	v18 =	vbroadcast v15, $0xF  }
0x36: {  	v20 =	vld [tilespmem:$0x860];
	v14 =	vbroadcast v15, $0x0  }
0x37: {  	v21 =	vld [tilespmem:$0x900];
	v4 =	vadd.f32 v13, v4;
	v24 =	vbroadcast v15, $0xE;
	v13 =	vmul.f32 v18, v2  }
0x38: {  	v22 =	vld [tilespmem:$0x870];
	v5 =	vadd.f32 v16, v5;
	v25 =	vbroadcast v15, $0xD;
	v19 =	vmul.f32 v14, v3  }
0x39: {  	v23 =	vld [tilespmem:$0x910];
	v10 =	vadd.f32 v11, v10;
	v18 =	vmul.f32 v18, v3;
	v13 =	vadd.f32 v13, v4  }
0x3a: {  	s22 =	simm.s32 $0x4D60;
	v16 =	vld [tilespmem:s23+$0x200];
	v28 =	vbroadcast v15, $0xC;
	v26 =	vmul.f32 v24, v2;
	v27 =	vadd.f32 v19, v5  }
0x3b: {  	v11 =	vadd.f32 v17, v12;
	v24 =	vmul.f32 v24, v3;
	v19 =	vld [tilespmem:s23+$0x400];
	v18 =	vadd.f32 v18, v5;
	[tilespmem:s22+$0x3D0] =	vst v13  }
0x3c: {  	v17 =	vbroadcast v15, $0xB;
	v12 =	vmul.f32 v25, v3;
	v26 =	vadd.f32 v26, v4;
	[tilespmem:s22+$0xFFFFFC40] =	vst v27  }
0x3d: {  	v35 =	vmul.f32 v28, v2;
	v24 =	vadd.f32 v24, v5;
	[tilespmem:s22+$0x3C0] =	vst v18  }
0x3e: {  	v38 =	vmul.f32 v17, v2;
	v12 =	vadd.f32 v12, v5;
	[tilespmem:s22+$0x350] =	vst v26  }
0x3f: {  	v17 =	vmul.f32 v17, v3;
	v39 =	vadd.f32 v35, v4;
	[tilespmem:s22+$0x340] =	vst v24  }
0x40: {  	v36 =	vmul.f32 v28, v3;
	v41 =	vadd.f32 v38, v4;
	v37 =	vbroadcast v16, $0xF;
	[tilespmem:s22+$0x2C0] =	vst v12  }
0x41: {  	v17 =	vadd.f32 v17, v5;
	v13 =	vmul.f32 v25, v2;
	[tilespmem:s22+$0x250] =	vst v39  }
0x42: {  	v47 =	vbroadcast v16, $0xE;
	v25 =	vadd.f32 v36, v5;
	[tilespmem:s22+$0x1D0] =	vst v41;
	v29 =	vmul.f32 v37, v8  }
0x43: {  	v53 =	vbroadcast v16, $0xD;
	[tilespmem:s22+$0x1C0] =	vst v17;
	v24 =	vmul.f32 v37, v6;
	v13 =	vadd.f32 v13, v4  }
0x44: {  	v12 =	vadd.f32 v23, v22;
	v50 =	vmul.f32 v47, v8;
	[tilespmem:s22+$0x240] =	vst v25;
	v44 =	vadd.f32 v29, v11  }
0x45: {  	v52 =	vmul.f32 v47, v6;
	v18 =	vbroadcast v19, $0x0;
	v24 =	vadd.f32 v24, v10;
	[tilespmem:s22+$0x2D0] =	vst v13  }
0x46: {  	v56 =	vmul.f32 v53, v8;
	v40 =	vbroadcast v19, $0xF;
	v25 =	vadd.f32 v50, v11;
	[tilespmem:s22+$0x390] =	vst v44  }
0x47: {  	v55 =	vadd.f32 v52, v10;
	v13 =	vadd.f32 v21, v20;
	v42 =	vmul.f32 v18, v9;
	[tilespmem:s22+$0x380] =	vst v24  }
0x48: {  	v46 =	vbroadcast v19, $0xE;
	v23 =	vadd.f32 v56, v11;
	v43 =	vmul.f32 v40, v7;
	[tilespmem:s22+$0x310] =	vst v25  }
0x49: {  	v51 =	vbroadcast v19, $0xD;
	v45 =	vmul.f32 v40, v9;
	[tilespmem:s22+$0x300] =	vst v55;
	v21 =	vadd.f32 v42, v13  }
0x4a: {  	v57 =	vbroadcast v19, $0xC;
	v20 =	vmul.f32 v46, v9;
	[tilespmem:s22+$0x290] =	vst v23;
	v22 =	vadd.f32 v43, v12  }
0x4b: {  	v28 =	vbroadcast v19, $0xB;
	v54 =	vmul.f32 v51, v7;
	v48 =	vadd.f32 v45, v13;
	[tilespmem:s22+$0xFFFFFC20] =	vst v21  }
0x4c: {  	v63 =	vmul.f32 v57, v9;
	v20 =	vadd.f32 v20, v13;
	[tilespmem:s22+$0x3B0] =	vst v22  }
0x4d: {  	v35 =	vbroadcast v19, $0xA;
	v32 =	vmul.f32 v28, v7;
	v24 =	vadd.f32 v54, v12;
	[tilespmem:s22+$0x3A0] =	vst v48  }
0x4e: {  	v34 =	vmul.f32 v28, v9;
	v31 =	vadd.f32 v63, v13;
	[tilespmem:s22+$0x320] =	vst v20  }
0x4f: {  	v41 =	vmul.f32 v35, v9;
	v23 =	vadd.f32 v32, v12;
	[tilespmem:s22+$0x2B0] =	vst v24  }
0x50: {  	v18 =	vmul.f32 v18, v7;
	v38 =	vadd.f32 v34, v13;
	[tilespmem:s22+$0x220] =	vst v31  }
0x51: {  	v14 =	vmul.f32 v14, v2;
	v45 =	vadd.f32 v41, v13;
	[tilespmem:s22+$0x1B0] =	vst v23  }
0x52: {  	v59 =	vbroadcast v16, $0xC;
	v49 =	vmul.f32 v46, v7;
	v18 =	vadd.f32 v18, v12;
	[tilespmem:s22+$0x1A0] =	vst v38  }
0x53: {  	v14 =	vadd.f32 v14, v4;
	v58 =	vmul.f32 v53, v6;
	v37 =	vbroadcast v16, $0xA;
	[tilespmem:s22+$0x120] =	vst v45  }
0x54: {  	v62 =	vmul.f32 v59, v8;
	v21 =	vadd.f32 v49, v12;
	[tilespmem:s22+$0xFFFFFC30] =	vst v18  }
0x55: {  	v40 =	vmul.f32 v37, v8;
	v20 =	vadd.f32 v58, v10;
	[tilespmem:s22+$0xFFFFFC50] =	vst v14  }
0x56: {  	v22 =	vmul.f32 v51, v9;
	v24 =	vadd.f32 v62, v11;
	[tilespmem:s22+$0x330] =	vst v21  }
0x57: {  	v30 =	vbroadcast v16, $0xB;
	v61 =	vmul.f32 v57, v7;
	v23 =	vadd.f32 v40, v11;
	[tilespmem:s22+$0x280] =	vst v20  }
0x58: {  	v29 =	vmul.f32 v59, v6;
	v60 =	vadd.f32 v22, v13;
	[tilespmem:s22+$0x210] =	vst v24  }
0x59: {  	v36 =	vmul.f32 v30, v6;
	v42 =	vbroadcast v19, $0x9;
	v22 =	vadd.f32 v61, v12;
	[tilespmem:s22+$0x110] =	vst v23  }
0x5a: {  	v56 =	vbroadcast v19, $0x7;
	v39 =	vmul.f32 v35, v7;
	v21 =	vadd.f32 v29, v10;
	[tilespmem:s22+$0x2A0] =	vst v60  }
0x5b: {  	v34 =	vbroadcast v19, $0x5;
	v48 =	vmul.f32 v42, v9;
	v20 =	vadd.f32 v36, v10;
	[tilespmem:s22+$0x230] =	vst v22  }
0x5c: {  	v62 =	vmul.f32 v56, v9;
	v24 =	vadd.f32 v39, v12;
	[tilespmem:s22+$0x200] =	vst v21  }
0x5d: {  	v44 =	vbroadcast v16, $0x9;
	v40 =	vmul.f32 v34, v9;
	v52 =	vadd.f32 v48, v13;
	[tilespmem:s22+$0x180] =	vst v20  }
0x5e: {  	v33 =	vmul.f32 v30, v8;
	v43 =	vmul.f32 v37, v6;
	v30 =	vadd.f32 v62, v13;
	[tilespmem:s22+$0x130] =	vst v24  }
0x5f: {  	v47 =	vmul.f32 v44, v8;
	v50 =	vmul.f32 v44, v6;
	v44 =	vadd.f32 v40, v13;
	[tilespmem:s22+$0xA0] =	vst v52  }
0x60: {  	v49 =	vbroadcast v19, $0x8;
	v22 =	vadd.f32 v33, v11;
	[tilespmem:s22+$0xFFFFFFA0] =	vst v30  }
0x61: {  	v21 =	vadd.f32 v43, v10;
	[tilespmem:s22+$0xFFFFFEA0] =	vst v44  }
0x62: {  	v53 =	vmul.f32 v49, v7;
	v24 =	vadd.f32 v47, v11;
	[tilespmem:s22+$0x190] =	vst v22  }
0x63: {  	v51 =	vbroadcast v16, $0x8;
	v55 =	vmul.f32 v49, v9;
	v20 =	vadd.f32 v50, v10;
	[tilespmem:s22+$0x100] =	vst v21  }
0x64: {  	v46 =	vmul.f32 v42, v7;
	v23 =	vadd.f32 v53, v12;
	[tilespmem:s22+$0x90] =	vst v24  }
0x65: {  	v58 =	vbroadcast v16, $0x7;
	v57 =	vmul.f32 v51, v6;
	v59 =	vadd.f32 v55, v13;
	[tilespmem:s22+$0x80] =	vst v20  }
0x66: {  	v60 =	vmul.f32 v56, v7;
	v22 =	vadd.f32 v46, v12;
	[tilespmem:s22+$0x30] =	vst v23  }
0x67: {  	v63 =	vbroadcast v19, $0x6;
	v61 =	vmul.f32 v58, v8;
	v21 =	vadd.f32 v57, v10;
	[tilespmem:s22+$0x20] =	vst v59  }
0x68: {  	v41 =	vbroadcast v19, $0x4;
	v28 =	vmul.f32 v58, v6;
	v24 =	vadd.f32 v60, v12;
	[tilespmem:s22+$0xB0] =	vst v22  }
0x69: {  	v33 =	vmul.f32 v63, v9;
	v23 =	vadd.f32 v61, v11;
	[tilespmem:s22+$0x0] =	vst v21  }
0x6a: {  	v29 =	vbroadcast v16, $0x6;
	v47 =	vmul.f32 v41, v9;
	v20 =	vadd.f32 v28, v10;
	[tilespmem:s22+$0xFFFFFFB0] =	vst v24  }
0x6b: {  	v54 =	vmul.f32 v51, v8;
	v37 =	vadd.f32 v33, v13;
	[tilespmem:s22+$0xFFFFFF90] =	vst v23  }
0x6c: {  	v38 =	vmul.f32 v34, v7;
	v32 =	vmul.f32 v29, v8;
	v51 =	vadd.f32 v47, v13;
	[tilespmem:s22+$0xFFFFFF80] =	vst v20  }
0x6d: {  	v36 =	vbroadcast v16, $0x5;
	v35 =	vmul.f32 v29, v6;
	v22 =	vadd.f32 v54, v11;
	[tilespmem:s22+$0xFFFFFF20] =	vst v37  }
0x6e: {  	v48 =	vbroadcast v19, $0x3;
	v55 =	vbroadcast v19, $0x2;
	v24 =	vadd.f32 v32, v11;
	[tilespmem:s22+$0xFFFFFE20] =	vst v51  }
0x6f: {  	v42 =	vmul.f32 v36, v6;
	v19 =	vbroadcast v19, $0x1;
	v21 =	vadd.f32 v35, v10;
	[tilespmem:s22+$0x10] =	vst v22  }
0x70: {  	v61 =	vmul.f32 v55, v9;
	v23 =	vadd.f32 v38, v12;
	[tilespmem:s22+$0xFFFFFF10] =	vst v24  }
0x71: {  	v29 =	vmul.f32 v19, v7;
	v19 =	vmul.f32 v19, v9;
	v20 =	vadd.f32 v42, v10;
	[tilespmem:s22+$0xFFFFFF00] =	vst v21  }
0x72: {  	v31 =	vmul.f32 v63, v7;
	v43 =	vbroadcast v16, $0x4;
	v28 =	vadd.f32 v61, v13;
	[tilespmem:s22+$0xFFFFFEB0] =	vst v23  }
0x73: {  	v45 =	vmul.f32 v41, v7;
	v19 =	vadd.f32 v19, v13;
	[tilespmem:s22+$0xFFFFFE80] =	vst v20  }
0x74: {  	v50 =	vbroadcast v16, $0x3;
	v46 =	vmul.f32 v43, v8;
	v22 =	vadd.f32 v31, v12;
	[tilespmem:s22+$0xFFFFFD20] =	vst v28  }
0x75: {  	v63 =	vbroadcast v16, $0x1;
	v49 =	vmul.f32 v43, v6;
	v24 =	vadd.f32 v45, v12;
	[tilespmem:s22+$0xFFFFFCA0] =	vst v19  }
0x76: {  	v56 =	vmul.f32 v50, v6;
	v54 =	vmul.f32 v48, v9;
	v23 =	vadd.f32 v46, v11;
	[tilespmem:s22+$0xFFFFFF30] =	vst v22  }
0x77: {  	v57 =	vbroadcast v16, $0x2;
	v16 =	vbroadcast v16, $0x0;
	v21 =	vadd.f32 v49, v10;
	[tilespmem:s22+$0xFFFFFE30] =	vst v24  }
0x78: {  	v34 =	vbroadcast v15, $0xA;
	v58 =	vadd.f32 v54, v13;
	[tilespmem:s22+$0xFFFFFE10] =	vst v23  }
0x79: {  	v33 =	vmul.f32 v16, v8;
	v16 =	vmul.f32 v16, v6;
	v20 =	vadd.f32 v56, v10;
	[tilespmem:s22+$0xFFFFFE00] =	vst v21  }
0x7a: {  	v35 =	vmul.f32 v34, v2;
	v31 =	vadd.f32 v29, v12;
	[tilespmem:s22+$0xFFFFFDA0] =	vst v58  }
0x7b: {  	v37 =	vmul.f32 v34, v3;
	v16 =	vadd.f32 v16, v10;
	[tilespmem:s22+$0xFFFFFD80] =	vst v20  }
0x7c: {  	v39 =	vmul.f32 v36, v8;
	v19 =	vadd.f32 v35, v4;
	[tilespmem:s22+$0xFFFFFCB0] =	vst v31  }
0x7d: {  	v53 =	vmul.f32 v50, v8;
	v40 =	vadd.f32 v37, v5;
	[tilespmem:s22+$0xFFFFFC00] =	vst v16  }
0x7e: {  	v59 =	vmul.f32 v55, v7;
	v22 =	vadd.f32 v39, v11;
	[tilespmem:s22+$0x150] =	vst v19  }
0x7f: {  	v62 =	vmul.f32 v57, v6;
	v38 =	vbroadcast v15, $0x8;
	v24 =	vadd.f32 v53, v11;
	[tilespmem:s22+$0x140] =	vst v40  }
0x80: {  	v44 =	vbroadcast v15, $0x6;
	v32 =	vmul.f32 v63, v6;
	v23 =	vadd.f32 v59, v12;
	[tilespmem:s22+$0xFFFFFE90] =	vst v22  }
0x81: {  	v41 =	vmul.f32 v38, v2;
	v21 =	vadd.f32 v62, v10;
	[tilespmem:s22+$0xFFFFFD90] =	vst v24  }
0x82: {  	v46 =	vmul.f32 v44, v2;
	v20 =	vadd.f32 v32, v10;
	[tilespmem:s22+$0xFFFFFD30] =	vst v23  }
0x83: {  	v52 =	vmul.f32 v48, v7;
	v36 =	vbroadcast v15, $0x9;
	v17 =	vadd.f32 v41, v4;
	[tilespmem:s22+$0xFFFFFD00] =	vst v21  }
0x84: {  	v30 =	vmul.f32 v63, v8;
	v47 =	vbroadcast v15, $0x5;
	v19 =	vadd.f32 v46, v4;
	[tilespmem:s22+$0xFFFFFC80] =	vst v20  }
0x85: {  	v50 =	vbroadcast v15, $0x4;
	v42 =	vbroadcast v15, $0x7;
	v22 =	vadd.f32 v52, v12;
	[tilespmem:s22+$0x50] =	vst v17  }
0x86: {  	v48 =	vmul.f32 v44, v3;
	v16 =	vmul.f32 v38, v3;
	v23 =	vadd.f32 v30, v11;
	[tilespmem:s22+$0xFFFFFF50] =	vst v19  }
0x87: {  	v54 =	vbroadcast v15, $0x3;
	v56 =	vbroadcast v15, $0x2;
	v21 =	vadd.f32 v33, v11;
	[tilespmem:s22+$0xFFFFFDB0] =	vst v22  }
0x88: {  	v15 =	vbroadcast v15, $0x1;
	v53 =	vmul.f32 v50, v2;
	v16 =	vadd.f32 v16, v5;
	[tilespmem:s22+$0xFFFFFC90] =	vst v23  }
0x89: {  	v59 =	vmul.f32 v56, v2;
	v17 =	vadd.f32 v48, v5;
	[tilespmem:s22+$0xFFFFFC10] =	vst v21  }
0x8a: {  	v62 =	vmul.f32 v15, v2;
	v18 =	vadd.f32 v53, v4;
	[tilespmem:s22+$0x40] =	vst v16  }
0x8b: {  	v15 =	vmul.f32 v15, v3;
	v61 =	vadd.f32 v59, v4;
	[tilespmem:s22+$0xFFFFFF40] =	vst v17  }
0x8c: {  	v60 =	vmul.f32 v57, v8;
	v63 =	vadd.f32 v62, v4;
	[tilespmem:s22+$0xFFFFFE50] =	vst v18  }
0x8d: {  	v20 =	vmul.f32 v36, v3;
	v15 =	vadd.f32 v15, v5;
	[tilespmem:s22+$0xFFFFFD50] =	vst v61  }
0x8e: {  	v45 =	vmul.f32 v42, v2;
	v22 =	vadd.f32 v60, v11;
	[tilespmem:s22+$0xFFFFFCD0] =	vst v63  }
0x8f: {  	v52 =	vmul.f32 v47, v3;
	v43 =	vadd.f32 v20, v5;
	[tilespmem:s22+$0xFFFFFCC0] =	vst v15  }
0x90: {  	v58 =	vmul.f32 v54, v3;
	v20 =	vadd.f32 v45, v4;
	[tilespmem:s22+$0xFFFFFD10] =	vst v22  }
0x91: {  	v39 =	vmul.f32 v36, v2;
	v55 =	vadd.f32 v52, v5;
	[tilespmem:s22+$0xC0] =	vst v43  }
0x92: {  	v21 =	vmul.f32 v42, v3;
	v60 =	vadd.f32 v58, v5;
	[tilespmem:s22+$0xFFFFFFD0] =	vst v20  }
0x93: {  	v51 =	vmul.f32 v47, v2;
	v22 =	vadd.f32 v39, v4;
	[tilespmem:s22+$0xFFFFFEC0] =	vst v55  }
0x94: {  	v16 =	vmul.f32 v50, v3;
	v49 =	vadd.f32 v21, v5;
	[tilespmem:s22+$0xFFFFFDC0] =	vst v60  }
0x95: {  	v57 =	vmul.f32 v54, v2;
	v21 =	vadd.f32 v51, v4;
	[tilespmem:s22+$0xD0] =	vst v22  }
0x96: {  	v17 =	vmul.f32 v56, v3;
	v16 =	vadd.f32 v16, v5;
	[tilespmem:s22+$0xFFFFFFC0] =	vst v49  }
0x97: {  	v20 =	vadd.f32 v57, v4;
	[tilespmem:s22+$0xFFFFFED0] =	vst v21  }
0x98: {  	v17 =	vadd.f32 v17, v5;
	[tilespmem:s22+$0xFFFFFE40] =	vst v16  }
0x99: {  	[tilespmem:s22+$0xFFFFFDD0] =	vst v20  }
0x9a: {  	s24 =	simm.s32 $0x10;
	s23 =	simm.s32 $0x80;
	[tilespmem:s22+$0xFFFFFD40] =	vst v17  }
.LBB2_2:
0x9b: {  	p0 =	sne.s32 s23, $0x7C0;
	v14 =	vld [tilespmem:s24+$0x600];
	_ =	sdelay $0x4  }
0x9c: {  	v15 =	vbroadcast v14, $0x0;
	v16 =	vbroadcast v14, $0xF  }
0x9d: {  	v17 =	vbroadcast v14, $0xD;
	v18 =	vbroadcast v14, $0xE  }
0x9e: {  	v19 =	vmul.f32 v15, v3;
	v20 =	vmul.f32 v16, v2  }
0x9f: {  	v21 =	vmul.f32 v18, v2;
	v16 =	vmul.f32 v16, v3  }
0xa0: {  	v23 =	vmul.f32 v18, v3;
	v22 =	vadd.f32 v19, v5;
	v20 =	vadd.f32 v20, v4  }
0xa1: {  	s22 =	sadd.s32 $0x800, s22;
	v24 =	vmul.f32 v17, v2;
	v21 =	vadd.f32 v21, v4;
	v16 =	vadd.f32 v16, v5;
	v18 =	vld [tilespmem:s24+$0x200]  }
0xa2: {  	v25 =	vbroadcast v14, $0xC;
	v26 =	vmul.f32 v17, v3;
	v23 =	vadd.f32 v23, v5;
	v19 =	vld [tilespmem:s24+$0x400];
	[tilespmem:s22+$0x3D0] =	vst v20  }
0xa3: {  	v17 =	vbroadcast v14, $0xA;
	v20 =	vbroadcast v14, $0xB;
	[tilespmem:s22+$0xFFFFFC40] =	vst v22;
	v22 =	vadd.f32 v24, v4  }
0xa4: {  	v26 =	vadd.f32 v26, v5;
	v24 =	vmul.f32 v25, v3;
	v25 =	vmul.f32 v25, v2;
	[tilespmem:s22+$0x3C0] =	vst v16  }
0xa5: {  	v16 =	vmul.f32 v20, v3;
	v27 =	vmul.f32 v20, v2;
	[tilespmem:s22+$0x350] =	vst v21  }
0xa6: {  	v21 =	vadd.f32 v25, v4;
	v25 =	vbroadcast v18, $0xE;
	[tilespmem:s22+$0x340] =	vst v23;
	v23 =	vbroadcast v18, $0xF  }
0xa7: {  	v24 =	vadd.f32 v24, v5;
	v20 =	vbroadcast v19, $0x0;
	[tilespmem:s22+$0x2D0] =	vst v22;
	v22 =	vbroadcast v19, $0xF  }
0xa8: {  	v27 =	vadd.f32 v27, v4;
	[tilespmem:s22+$0x2C0] =	vst v26;
	v26 =	vmul.f32 v23, v6;
	v23 =	vmul.f32 v23, v8  }
0xa9: {  	v16 =	vadd.f32 v16, v5;
	v28 =	vmul.f32 v20, v9;
	[tilespmem:s22+$0x250] =	vst v21;
	v21 =	vmul.f32 v22, v7  }
0xaa: {  	v22 =	vmul.f32 v22, v9;
	[tilespmem:s22+$0x240] =	vst v24;
	v24 =	vadd.f32 v26, v10;
	v23 =	vadd.f32 v23, v11  }
0xab: {  	v26 =	vadd.f32 v28, v13;
	[tilespmem:s22+$0x1D0] =	vst v27;
	v27 =	vbroadcast v19, $0xE;
	v21 =	vadd.f32 v21, v12  }
0xac: {  	v28 =	vmul.f32 v25, v6;
	v25 =	vmul.f32 v25, v8;
	v22 =	vadd.f32 v22, v13;
	[tilespmem:s22+$0x390] =	vst v23  }
0xad: {  	[tilespmem:s22+$0xFFFFFC20] =	vst v26;
	v23 =	vmul.f32 v27, v9;
	v26 =	vmul.f32 v27, v7  }
0xae: {  	v27 =	vbroadcast v19, $0xD;
	v28 =	vadd.f32 v28, v10;
	v25 =	vadd.f32 v25, v11;
	[tilespmem:s22+$0x3B0] =	vst v21  }
0xaf: {  	v21 =	vbroadcast v18, $0xD;
	v23 =	vadd.f32 v23, v13;
	v26 =	vadd.f32 v26, v12;
	[tilespmem:s22+$0x3A0] =	vst v22  }
0xb0: {  	v22 =	vmul.f32 v27, v9;
	v27 =	vmul.f32 v27, v7;
	[tilespmem:s22+$0x380] =	vst v24  }
0xb1: {  	v24 =	vmul.f32 v21, v6;
	v21 =	vmul.f32 v21, v8;
	[tilespmem:s22+$0x330] =	vst v26  }
0xb2: {  	v26 =	vbroadcast v19, $0xC;
	v22 =	vadd.f32 v22, v13;
	v27 =	vadd.f32 v27, v12;
	[tilespmem:s22+$0x310] =	vst v25  }
0xb3: {  	v25 =	vbroadcast v18, $0xC;
	v24 =	vadd.f32 v24, v10;
	v21 =	vadd.f32 v21, v11;
	[tilespmem:s22+$0x320] =	vst v23  }
0xb4: {  	v23 =	vmul.f32 v26, v9;
	v26 =	vmul.f32 v26, v7;
	[tilespmem:s22+$0x300] =	vst v28  }
0xb5: {  	v28 =	vmul.f32 v25, v6;
	v25 =	vmul.f32 v25, v8;
	[tilespmem:s22+$0x2B0] =	vst v27  }
0xb6: {  	v27 =	vbroadcast v19, $0xB;
	v23 =	vadd.f32 v23, v13;
	v26 =	vadd.f32 v26, v12;
	[tilespmem:s22+$0x290] =	vst v21  }
0xb7: {  	v21 =	vbroadcast v18, $0xB;
	v28 =	vadd.f32 v28, v10;
	v25 =	vadd.f32 v25, v11;
	[tilespmem:s22+$0x2A0] =	vst v22  }
0xb8: {  	v22 =	vmul.f32 v27, v9;
	v27 =	vmul.f32 v27, v7;
	[tilespmem:s22+$0x280] =	vst v24  }
0xb9: {  	v24 =	vmul.f32 v21, v6;
	v21 =	vmul.f32 v21, v8;
	[tilespmem:s22+$0x230] =	vst v26  }
0xba: {  	v26 =	vbroadcast v19, $0xA;
	v22 =	vadd.f32 v22, v13;
	v27 =	vadd.f32 v27, v12;
	[tilespmem:s22+$0x210] =	vst v25  }
0xbb: {  	v25 =	vbroadcast v18, $0xA;
	v24 =	vadd.f32 v24, v10;
	v21 =	vadd.f32 v21, v11;
	[tilespmem:s22+$0x220] =	vst v23  }
0xbc: {  	v23 =	vmul.f32 v26, v9;
	v26 =	vmul.f32 v26, v7;
	[tilespmem:s22+$0x200] =	vst v28  }
0xbd: {  	v28 =	vmul.f32 v25, v6;
	v25 =	vmul.f32 v25, v8;
	[tilespmem:s22+$0x1B0] =	vst v27  }
0xbe: {  	v27 =	vbroadcast v19, $0x9;
	v23 =	vadd.f32 v23, v13;
	v26 =	vadd.f32 v26, v12;
	[tilespmem:s22+$0x190] =	vst v21  }
0xbf: {  	v21 =	vbroadcast v18, $0x9;
	v28 =	vadd.f32 v28, v10;
	v25 =	vadd.f32 v25, v11;
	[tilespmem:s22+$0x1A0] =	vst v22  }
0xc0: {  	v22 =	vmul.f32 v27, v9;
	v27 =	vmul.f32 v27, v7;
	[tilespmem:s22+$0x180] =	vst v24  }
0xc1: {  	v24 =	vmul.f32 v21, v6;
	v21 =	vmul.f32 v21, v8;
	[tilespmem:s22+$0x130] =	vst v26  }
0xc2: {  	v26 =	vbroadcast v19, $0x8;
	v22 =	vadd.f32 v22, v13;
	v27 =	vadd.f32 v27, v12;
	[tilespmem:s22+$0x110] =	vst v25  }
0xc3: {  	v25 =	vbroadcast v18, $0x8;
	v24 =	vadd.f32 v24, v10;
	v21 =	vadd.f32 v21, v11;
	[tilespmem:s22+$0x120] =	vst v23  }
0xc4: {  	v23 =	vmul.f32 v26, v9;
	v26 =	vmul.f32 v26, v7;
	[tilespmem:s22+$0x100] =	vst v28  }
0xc5: {  	v28 =	vmul.f32 v25, v6;
	v25 =	vmul.f32 v25, v8;
	[tilespmem:s22+$0xB0] =	vst v27  }
0xc6: {  	v27 =	vbroadcast v19, $0x7;
	v23 =	vadd.f32 v23, v13;
	v26 =	vadd.f32 v26, v12;
	[tilespmem:s22+$0x90] =	vst v21  }
0xc7: {  	v21 =	vbroadcast v18, $0x7;
	v28 =	vadd.f32 v28, v10;
	v25 =	vadd.f32 v25, v11;
	[tilespmem:s22+$0xA0] =	vst v22  }
0xc8: {  	v22 =	vmul.f32 v27, v9;
	v27 =	vmul.f32 v27, v7;
	[tilespmem:s22+$0x80] =	vst v24  }
0xc9: {  	v24 =	vmul.f32 v21, v6;
	v21 =	vmul.f32 v21, v8;
	[tilespmem:s22+$0x30] =	vst v26  }
0xca: {  	v26 =	vbroadcast v19, $0x6;
	v22 =	vadd.f32 v22, v13;
	v27 =	vadd.f32 v27, v12;
	[tilespmem:s22+$0x10] =	vst v25  }
0xcb: {  	v25 =	vbroadcast v18, $0x6;
	v24 =	vadd.f32 v24, v10;
	v21 =	vadd.f32 v21, v11;
	[tilespmem:s22+$0x20] =	vst v23  }
0xcc: {  	v23 =	vmul.f32 v26, v9;
	v26 =	vmul.f32 v26, v7;
	[tilespmem:s22+$0x0] =	vst v28  }
0xcd: {  	v28 =	vmul.f32 v25, v6;
	v25 =	vmul.f32 v25, v8;
	[tilespmem:s22+$0xFFFFFFB0] =	vst v27  }
0xce: {  	v27 =	vbroadcast v19, $0x5;
	v23 =	vadd.f32 v23, v13;
	v26 =	vadd.f32 v26, v12;
	[tilespmem:s22+$0xFFFFFF90] =	vst v21  }
0xcf: {  	v21 =	vbroadcast v18, $0x5;
	v28 =	vadd.f32 v28, v10;
	v25 =	vadd.f32 v25, v11;
	[tilespmem:s22+$0xFFFFFFA0] =	vst v22  }
0xd0: {  	v22 =	vmul.f32 v27, v9;
	v27 =	vmul.f32 v27, v7;
	[tilespmem:s22+$0xFFFFFF80] =	vst v24  }
0xd1: {  	v24 =	vmul.f32 v21, v6;
	v21 =	vmul.f32 v21, v8;
	[tilespmem:s22+$0xFFFFFF30] =	vst v26  }
0xd2: {  	v26 =	vbroadcast v19, $0x4;
	v22 =	vadd.f32 v22, v13;
	v27 =	vadd.f32 v27, v12;
	[tilespmem:s22+$0xFFFFFF10] =	vst v25  }
0xd3: {  	v25 =	vbroadcast v18, $0x4;
	v24 =	vadd.f32 v24, v10;
	v21 =	vadd.f32 v21, v11;
	[tilespmem:s22+$0xFFFFFF20] =	vst v23  }
0xd4: {  	v23 =	vmul.f32 v26, v9;
	v26 =	vmul.f32 v26, v7;
	[tilespmem:s22+$0xFFFFFF00] =	vst v28  }
0xd5: {  	v28 =	vmul.f32 v25, v6;
	v25 =	vmul.f32 v25, v8;
	[tilespmem:s22+$0xFFFFFEB0] =	vst v27  }
0xd6: {  	v27 =	vbroadcast v19, $0x3;
	v23 =	vadd.f32 v23, v13;
	v26 =	vadd.f32 v26, v12;
	[tilespmem:s22+$0xFFFFFE90] =	vst v21  }
0xd7: {  	v21 =	vbroadcast v18, $0x3;
	v28 =	vadd.f32 v28, v10;
	v25 =	vadd.f32 v25, v11;
	[tilespmem:s22+$0xFFFFFEA0] =	vst v22  }
0xd8: {  	v22 =	vmul.f32 v27, v9;
	v27 =	vmul.f32 v27, v7;
	[tilespmem:s22+$0xFFFFFE80] =	vst v24  }
0xd9: {  	v24 =	vmul.f32 v21, v6;
	v21 =	vmul.f32 v21, v8;
	[tilespmem:s22+$0xFFFFFE30] =	vst v26  }
0xda: {  	v26 =	vbroadcast v19, $0x2;
	v22 =	vadd.f32 v22, v13;
	v27 =	vadd.f32 v27, v12;
	[tilespmem:s22+$0xFFFFFE10] =	vst v25  }
0xdb: {  	v25 =	vbroadcast v18, $0x2;
	v24 =	vadd.f32 v24, v10;
	v21 =	vadd.f32 v21, v11;
	[tilespmem:s22+$0xFFFFFE20] =	vst v23  }
0xdc: {  	v23 =	vmul.f32 v26, v9;
	v26 =	vmul.f32 v26, v7;
	[tilespmem:s22+$0xFFFFFE00] =	vst v28  }
0xdd: {  	v28 =	vmul.f32 v25, v6;
	v25 =	vmul.f32 v25, v8;
	[tilespmem:s22+$0xFFFFFDB0] =	vst v27  }
0xde: {  	v19 =	vbroadcast v19, $0x1;
	v23 =	vadd.f32 v23, v13;
	v26 =	vadd.f32 v26, v12;
	[tilespmem:s22+$0xFFFFFD90] =	vst v21  }
0xdf: {  	v21 =	vbroadcast v18, $0x1;
	v27 =	vadd.f32 v28, v10;
	v25 =	vadd.f32 v25, v11;
	[tilespmem:s22+$0xFFFFFDA0] =	vst v22  }
0xe0: {  	v22 =	vmul.f32 v19, v9;
	v19 =	vmul.f32 v19, v7;
	[tilespmem:s22+$0xFFFFFD80] =	vst v24  }
0xe1: {  	v24 =	vmul.f32 v21, v6;
	v21 =	vmul.f32 v21, v8;
	[tilespmem:s22+$0xFFFFFD30] =	vst v26  }
0xe2: {  	v18 =	vbroadcast v18, $0x0;
	v22 =	vadd.f32 v22, v13;
	v19 =	vadd.f32 v19, v12;
	[tilespmem:s22+$0xFFFFFD10] =	vst v25  }
0xe3: {  	v20 =	vmul.f32 v20, v7;
	v24 =	vadd.f32 v24, v10;
	v21 =	vadd.f32 v21, v11;
	[tilespmem:s22+$0xFFFFFD20] =	vst v23  }
0xe4: {  	v23 =	vmul.f32 v18, v6;
	v18 =	vmul.f32 v18, v8;
	[tilespmem:s22+$0xFFFFFD00] =	vst v27  }
0xe5: {  	v20 =	vadd.f32 v20, v12;
	[tilespmem:s22+$0xFFFFFCB0] =	vst v19;
	v19 =	vmul.f32 v17, v3;
	v17 =	vmul.f32 v17, v2  }
0xe6: {  	v23 =	vadd.f32 v23, v10;
	v18 =	vadd.f32 v18, v11;
	[tilespmem:s22+$0xFFFFFC90] =	vst v21;
	v21 =	vbroadcast v14, $0x9  }
0xe7: {  	[tilespmem:s22+$0xFFFFFCA0] =	vst v22;
	v22 =	vbroadcast v14, $0x8;
	v19 =	vadd.f32 v19, v5;
	v17 =	vadd.f32 v17, v4  }
0xe8: {  	[tilespmem:s22+$0xFFFFFC80] =	vst v24;
	v24 =	vmul.f32 v21, v3;
	v21 =	vmul.f32 v21, v2  }
0xe9: {  	[tilespmem:s22+$0xFFFFFC10] =	vst v18;
	v18 =	vmul.f32 v22, v3;
	v22 =	vmul.f32 v22, v2  }
0xea: {  	[tilespmem:s22+$0xFFFFFC00] =	vst v23;
	v23 =	vbroadcast v14, $0x7;
	v24 =	vadd.f32 v24, v5;
	v21 =	vadd.f32 v21, v4  }
0xeb: {  	[tilespmem:s22+$0xFFFFFC30] =	vst v20;
	v20 =	vbroadcast v14, $0x6;
	v18 =	vadd.f32 v18, v5;
	v22 =	vadd.f32 v22, v4  }
0xec: {  	v25 =	vmul.f32 v23, v3;
	v23 =	vmul.f32 v23, v2;
	[tilespmem:s22+$0x1C0] =	vst v16  }
0xed: {  	v16 =	vmul.f32 v20, v3;
	v20 =	vmul.f32 v20, v2;
	[tilespmem:s22+$0x150] =	vst v17  }
0xee: {  	v17 =	vbroadcast v14, $0x5;
	v25 =	vadd.f32 v25, v5;
	v23 =	vadd.f32 v23, v4;
	[tilespmem:s22+$0x140] =	vst v19  }
0xef: {  	v19 =	vbroadcast v14, $0x4;
	v16 =	vadd.f32 v16, v5;
	v20 =	vadd.f32 v20, v4;
	[tilespmem:s22+$0xD0] =	vst v21  }
0xf0: {  	v21 =	vmul.f32 v17, v3;
	v17 =	vmul.f32 v17, v2;
	[tilespmem:s22+$0xC0] =	vst v24  }
0xf1: {  	v24 =	vmul.f32 v19, v3;
	v19 =	vmul.f32 v19, v2;
	[tilespmem:s22+$0x50] =	vst v22  }
0xf2: {  	v22 =	vbroadcast v14, $0x3;
	v21 =	vadd.f32 v21, v5;
	v17 =	vadd.f32 v17, v4;
	[tilespmem:s22+$0x40] =	vst v18  }
0xf3: {  	v18 =	vbroadcast v14, $0x2;
	v24 =	vadd.f32 v24, v5;
	v19 =	vadd.f32 v19, v4;
	[tilespmem:s22+$0xFFFFFFD0] =	vst v23  }
0xf4: {  	v23 =	vmul.f32 v22, v3;
	v22 =	vmul.f32 v22, v2;
	[tilespmem:s22+$0xFFFFFFC0] =	vst v25  }
0xf5: {  	v25 =	vmul.f32 v18, v3;
	v18 =	vmul.f32 v18, v2;
	[tilespmem:s22+$0xFFFFFF50] =	vst v20  }
0xf6: {  	v14 =	vbroadcast v14, $0x1;
	v20 =	vadd.f32 v23, v5;
	v22 =	vadd.f32 v22, v4;
	[tilespmem:s22+$0xFFFFFF40] =	vst v16  }
0xf7: {  	v15 =	vmul.f32 v15, v2;
	v16 =	vadd.f32 v25, v5;
	v18 =	vadd.f32 v18, v4;
	[tilespmem:s22+$0xFFFFFED0] =	vst v17  }
0xf8: {  	v17 =	vmul.f32 v14, v3;
	v14 =	vmul.f32 v14, v2;
	[tilespmem:s22+$0xFFFFFEC0] =	vst v21  }
0xf9: {  	v15 =	vadd.f32 v15, v4;
	[tilespmem:s22+$0xFFFFFE50] =	vst v19  }
0xfa: {  	v17 =	vadd.f32 v17, v5;
	v14 =	vadd.f32 v14, v4;
	[tilespmem:s22+$0xFFFFFE40] =	vst v24  }
0xfb: {  	[tilespmem:s22+$0xFFFFFDD0] =	vst v22  }
0xfc: {  	[tilespmem:s22+$0xFFFFFDC0] =	vst v20  }
.Ltmp0:
0xfd: {  	[tilespmem:s22+$0xFFFFFD50] =	vst v18;
	(pc) =	sbr.rel @p0 .LBB2_2-.Ltmp0, $4  }
0xfe: {  	[tilespmem:s22+$0xFFFFFD40] =	vst v16  }
0xff: {  	[tilespmem:s22+$0xFFFFFCD0] =	vst v14  }
0x100: {  	[tilespmem:s22+$0xFFFFFCC0] =	vst v17  }
0x101: {  	s24 =	sshra.s32 s23, $0x2;
	s23 =	sadd.s32 $0x40, s23;
	[tilespmem:s22+$0xFFFFFC50] =	vst v15  }
0x102: {  	v15 =	vld [tilespmem:s24+$0x600];
	_ =	sdelay $0x4  }
0x103: {  	v16 =	vbroadcast v15, $0xF  }
0x104: {  	v14 =	vbroadcast v15, $0x0  }
0x105: {  	v17 =	vmul.f32 v16, v2  }
0x106: {  	v18 =	vbroadcast v15, $0xE;
	v19 =	vmul.f32 v14, v3  }
0x107: {  	v20 =	vmul.f32 v16, v3;
	v17 =	vadd.f32 v17, v4  }
0x108: {  	s22 =	sadd.s32 $0x800, s22;
	v21 =	vbroadcast v15, $0xD;
	v16 =	vld [tilespmem:s24+$0x200];
	v22 =	vmul.f32 v18, v2;
	v23 =	vadd.f32 v19, v5  }
0x109: {  	v18 =	vmul.f32 v18, v3;
	v19 =	vld [tilespmem:s24+$0x400];
	v20 =	vadd.f32 v20, v5;
	[tilespmem:s22+$0x3D0] =	vst v17  }
0x10a: {  	v25 =	vbroadcast v15, $0xC;
	v24 =	vmul.f32 v21, v2;
	v22 =	vadd.f32 v22, v4;
	[tilespmem:s22+$0xFFFFFC40] =	vst v23  }
0x10b: {  	v21 =	vmul.f32 v21, v3;
	v18 =	vadd.f32 v18, v5;
	[tilespmem:s22+$0x3C0] =	vst v20  }
0x10c: {  	v31 =	vmul.f32 v25, v3;
	v29 =	vadd.f32 v24, v4;
	v17 =	vbroadcast v15, $0xB;
	[tilespmem:s22+$0x350] =	vst v22  }
0x10d: {  	v30 =	vmul.f32 v25, v2;
	v21 =	vadd.f32 v21, v5;
	[tilespmem:s22+$0x340] =	vst v18;
	v32 =	vbroadcast v16, $0xF  }
0x10e: {  	v34 =	vadd.f32 v31, v5;
	[tilespmem:s22+$0x2D0] =	vst v29;
	v33 =	vmul.f32 v17, v2  }
0x10f: {  	v23 =	vadd.f32 v30, v4;
	[tilespmem:s22+$0x2C0] =	vst v21;
	v42 =	vbroadcast v16, $0xE;
	v36 =	vmul.f32 v32, v8  }
0x110: {  	[tilespmem:s22+$0x240] =	vst v34;
	v24 =	vmul.f32 v32, v6;
	v25 =	vadd.f32 v33, v4  }
0x111: {  	v50 =	vbroadcast v16, $0xD;
	[tilespmem:s22+$0x250] =	vst v23;
	v46 =	vmul.f32 v42, v8;
	v38 =	vadd.f32 v36, v11  }
0x112: {  	v18 =	vbroadcast v19, $0x0;
	v49 =	vmul.f32 v42, v6;
	v45 =	vadd.f32 v24, v10;
	[tilespmem:s22+$0x1D0] =	vst v25  }
0x113: {  	v35 =	vbroadcast v19, $0xF;
	v56 =	vmul.f32 v50, v6;
	v24 =	vadd.f32 v46, v11;
	[tilespmem:s22+$0x390] =	vst v38  }
0x114: {  	v26 =	vmul.f32 v18, v9;
	v20 =	vadd.f32 v49, v10;
	[tilespmem:s22+$0x380] =	vst v45  }
0x115: {  	v41 =	vbroadcast v19, $0xE;
	v37 =	vmul.f32 v35, v7;
	v22 =	vadd.f32 v56, v10;
	[tilespmem:s22+$0x310] =	vst v24  }
0x116: {  	v39 =	vmul.f32 v35, v9;
	v40 =	vadd.f32 v26, v13;
	[tilespmem:s22+$0x300] =	vst v20  }
0x117: {  	v48 =	vbroadcast v19, $0xD;
	v44 =	vmul.f32 v41, v7;
	v23 =	vadd.f32 v37, v12;
	[tilespmem:s22+$0x280] =	vst v22  }
0x118: {  	v55 =	vbroadcast v19, $0xC;
	v47 =	vmul.f32 v41, v9;
	v43 =	vadd.f32 v39, v13;
	[tilespmem:s22+$0xFFFFFC20] =	vst v40  }
0x119: {  	v57 =	vbroadcast v16, $0xC;
	v54 =	vmul.f32 v48, v9;
	v21 =	vadd.f32 v44, v12;
	[tilespmem:s22+$0x3B0] =	vst v23  }
0x11a: {  	v62 =	vbroadcast v19, $0xB;
	v59 =	vmul.f32 v55, v7;
	v51 =	vadd.f32 v47, v13;
	[tilespmem:s22+$0x3A0] =	vst v43  }
0x11b: {  	v63 =	vmul.f32 v57, v6;
	v58 =	vadd.f32 v54, v13;
	[tilespmem:s22+$0x330] =	vst v21  }
0x11c: {  	v29 =	vmul.f32 v62, v7;
	v24 =	vadd.f32 v59, v12;
	[tilespmem:s22+$0x320] =	vst v51  }
0x11d: {  	v31 =	vmul.f32 v62, v9;
	v20 =	vadd.f32 v63, v10;
	[tilespmem:s22+$0x2A0] =	vst v58  }
0x11e: {  	v28 =	vbroadcast v16, $0xB;
	v52 =	vmul.f32 v48, v7;
	v22 =	vadd.f32 v29, v12;
	[tilespmem:s22+$0x230] =	vst v24  }
0x11f: {  	v34 =	vbroadcast v16, $0xA;
	v53 =	vmul.f32 v50, v8;
	v35 =	vadd.f32 v31, v13;
	[tilespmem:s22+$0x200] =	vst v20  }
0x120: {  	v30 =	vmul.f32 v28, v8;
	v32 =	vbroadcast v19, $0xA;
	v23 =	vadd.f32 v52, v12;
	[tilespmem:s22+$0x1B0] =	vst v22  }
0x121: {  	v37 =	vmul.f32 v34, v8;
	v21 =	vadd.f32 v53, v11;
	[tilespmem:s22+$0x1A0] =	vst v35  }
0x122: {  	v38 =	vmul.f32 v32, v9;
	v24 =	vadd.f32 v30, v11;
	[tilespmem:s22+$0x2B0] =	vst v23  }
0x123: {  	v60 =	vmul.f32 v57, v8;
	v22 =	vadd.f32 v37, v11;
	[tilespmem:s22+$0x290] =	vst v21  }
0x124: {  	v61 =	vmul.f32 v55, v9;
	v39 =	vbroadcast v19, $0x9;
	v42 =	vadd.f32 v38, v13;
	[tilespmem:s22+$0x190] =	vst v24  }
0x125: {  	v40 =	vmul.f32 v34, v6;
	v23 =	vadd.f32 v60, v11;
	[tilespmem:s22+$0x110] =	vst v22  }
0x126: {  	v46 =	vbroadcast v19, $0x8;
	v43 =	vmul.f32 v39, v7;
	v21 =	vadd.f32 v61, v13;
	[tilespmem:s22+$0x120] =	vst v42  }
0x127: {  	v33 =	vmul.f32 v28, v6;
	v45 =	vmul.f32 v39, v9;
	v20 =	vadd.f32 v40, v10;
	[tilespmem:s22+$0x210] =	vst v23  }
0x128: {  	v50 =	vmul.f32 v46, v7;
	v31 =	vbroadcast v19, $0x5;
	v24 =	vadd.f32 v43, v12;
	[tilespmem:s22+$0x220] =	vst v21  }
0x129: {  	v36 =	vmul.f32 v32, v7;
	v52 =	vmul.f32 v46, v9;
	v49 =	vadd.f32 v45, v13;
	[tilespmem:s22+$0x100] =	vst v20  }
0x12a: {  	v41 =	vbroadcast v16, $0x9;
	v37 =	vmul.f32 v31, v9;
	v22 =	vadd.f32 v50, v12;
	[tilespmem:s22+$0xB0] =	vst v24  }
0x12b: {  	v48 =	vbroadcast v16, $0x8;
	v55 =	vbroadcast v16, $0x7;
	v56 =	vadd.f32 v52, v13;
	[tilespmem:s22+$0xA0] =	vst v49  }
0x12c: {  	v44 =	vmul.f32 v41, v8;
	v47 =	vmul.f32 v41, v6;
	v41 =	vadd.f32 v37, v13;
	[tilespmem:s22+$0x30] =	vst v22  }
0x12d: {  	v54 =	vmul.f32 v48, v6;
	v51 =	vmul.f32 v48, v8;
	v21 =	vadd.f32 v33, v10;
	[tilespmem:s22+$0x20] =	vst v56  }
0x12e: {  	v53 =	vbroadcast v19, $0x7;
	v58 =	vmul.f32 v55, v8;
	v23 =	vadd.f32 v36, v12;
	[tilespmem:s22+$0xFFFFFEA0] =	vst v41  }
0x12f: {  	v35 =	vmul.f32 v31, v7;
	v31 =	vbroadcast v15, $0xA;
	v24 =	vadd.f32 v51, v11;
	[tilespmem:s22+$0x180] =	vst v21  }
0x130: {  	v59 =	vmul.f32 v53, v9;
	v20 =	vadd.f32 v54, v10;
	[tilespmem:s22+$0x130] =	vst v23  }
0x131: {  	v40 =	vbroadcast v16, $0x4;
	v37 =	vmul.f32 v31, v3;
	v22 =	vadd.f32 v58, v11;
	[tilespmem:s22+$0x10] =	vst v24  }
0x132: {  	v62 =	vbroadcast v16, $0x6;
	v60 =	vbroadcast v19, $0x6;
	v63 =	vadd.f32 v59, v13;
	[tilespmem:s22+$0x0] =	vst v20  }
0x133: {  	v43 =	vmul.f32 v40, v8;
	v46 =	vmul.f32 v40, v6;
	v40 =	vadd.f32 v37, v5;
	[tilespmem:s22+$0xFFFFFF90] =	vst v22  }
0x134: {  	v28 =	vmul.f32 v60, v7;
	v23 =	vadd.f32 v44, v11;
	[tilespmem:s22+$0xFFFFFFA0] =	vst v63  }
0x135: {  	v32 =	vmul.f32 v62, v6;
	v30 =	vmul.f32 v60, v9;
	v21 =	vadd.f32 v47, v10;
	[tilespmem:s22+$0x140] =	vst v40  }
0x136: {  	v38 =	vbroadcast v19, $0x4;
	v45 =	vbroadcast v19, $0x3;
	v24 =	vadd.f32 v28, v12;
	[tilespmem:s22+$0x90] =	vst v23  }
0x137: {  	v52 =	vbroadcast v19, $0x2;
	v19 =	vbroadcast v19, $0x1;
	v34 =	vadd.f32 v30, v13;
	[tilespmem:s22+$0x80] =	vst v21  }
0x138: {  	v29 =	vmul.f32 v62, v8;
	v51 =	vmul.f32 v45, v9;
	v20 =	vadd.f32 v32, v10;
	[tilespmem:s22+$0xFFFFFF30] =	vst v24  }
0x139: {  	v57 =	vmul.f32 v53, v7;
	v62 =	vmul.f32 v19, v7;
	v22 =	vadd.f32 v35, v12;
	[tilespmem:s22+$0xFFFFFF20] =	vst v34  }
0x13a: {  	v61 =	vmul.f32 v55, v6;
	v33 =	vbroadcast v16, $0x5;
	v55 =	vadd.f32 v51, v13;
	[tilespmem:s22+$0xFFFFFF00] =	vst v20  }
0x13b: {  	v26 =	vadd.f32 v62, v12;
	[tilespmem:s22+$0xFFFFFEB0] =	vst v22  }
0x13c: {  	v36 =	vmul.f32 v33, v8;
	v23 =	vadd.f32 v57, v12;
	[tilespmem:s22+$0xFFFFFDA0] =	vst v55  }
0x13d: {  	v21 =	vadd.f32 v61, v10;
	[tilespmem:s22+$0xFFFFFCB0] =	vst v26  }
0x13e: {  	v44 =	vmul.f32 v38, v9;
	v24 =	vadd.f32 v36, v11;
	[tilespmem:s22+$0xFFFFFFB0] =	vst v23  }
0x13f: {  	v22 =	vadd.f32 v43, v11;
	[tilespmem:s22+$0xFFFFFF80] =	vst v21  }
0x140: {  	v58 =	vmul.f32 v52, v9;
	v48 =	vadd.f32 v44, v13;
	[tilespmem:s22+$0xFFFFFE90] =	vst v24  }
0x141: {  	v42 =	vmul.f32 v38, v7;
	v32 =	vmul.f32 v18, v7;
	v20 =	vadd.f32 v46, v10;
	[tilespmem:s22+$0xFFFFFE10] =	vst v22  }
0x142: {  	v39 =	vmul.f32 v33, v6;
	v33 =	vmul.f32 v17, v3;
	v61 =	vadd.f32 v58, v13;
	[tilespmem:s22+$0xFFFFFE20] =	vst v48  }
0x143: {  	v49 =	vmul.f32 v45, v7;
	v56 =	vmul.f32 v52, v7;
	v7 =	vadd.f32 v32, v12;
	[tilespmem:s22+$0xFFFFFE00] =	vst v20  }
0x144: {  	v36 =	vadd.f32 v33, v5;
	[tilespmem:s22+$0xFFFFFD20] =	vst v61  }
0x145: {  	v54 =	vbroadcast v16, $0x2;
	v23 =	vadd.f32 v29, v11;
	[tilespmem:s22+$0xFFFFFC30] =	vst v7  }
0x146: {  	v60 =	vbroadcast v16, $0x1;
	v47 =	vbroadcast v16, $0x3;
	v21 =	vadd.f32 v39, v10;
	[tilespmem:s22+$0x1C0] =	vst v36  }
0x147: {  	v59 =	vmul.f32 v54, v6;
	v16 =	vbroadcast v16, $0x0;
	v24 =	vadd.f32 v49, v12;
	[tilespmem:s22+$0xFFFFFF10] =	vst v23  }
0x148: {  	v27 =	vmul.f32 v60, v6;
	v22 =	vadd.f32 v56, v12;
	[tilespmem:s22+$0xFFFFFE80] =	vst v21  }
0x149: {  	v28 =	vmul.f32 v16, v8;
	v20 =	vadd.f32 v59, v10;
	[tilespmem:s22+$0xFFFFFDB0] =	vst v24  }
0x14a: {  	v63 =	vmul.f32 v60, v8;
	v30 =	vmul.f32 v16, v6;
	v29 =	vadd.f32 v27, v10;
	[tilespmem:s22+$0xFFFFFD30] =	vst v22  }
0x14b: {  	v50 =	vmul.f32 v47, v8;
	v57 =	vmul.f32 v54, v8;
	v8 =	vadd.f32 v28, v11;
	[tilespmem:s22+$0xFFFFFD00] =	vst v20  }
0x14c: {  	v53 =	vmul.f32 v47, v6;
	v6 =	vadd.f32 v30, v10;
	[tilespmem:s22+$0xFFFFFC80] =	vst v29  }
0x14d: {  	v23 =	vadd.f32 v42, v12;
	[tilespmem:s22+$0xFFFFFC10] =	vst v8  }
0x14e: {  	v35 =	vbroadcast v15, $0x9;
	v21 =	vadd.f32 v53, v10;
	[tilespmem:s22+$0xFFFFFC00] =	vst v6  }
0x14f: {  	v34 =	vmul.f32 v31, v2;
	v44 =	vbroadcast v15, $0x6;
	v24 =	vadd.f32 v57, v11;
	[tilespmem:s22+$0xFFFFFE30] =	vst v23  }
0x150: {  	v47 =	vbroadcast v15, $0x5;
	v39 =	vmul.f32 v35, v2;
	v22 =	vadd.f32 v63, v11;
	[tilespmem:s22+$0xFFFFFD80] =	vst v21  }
0x151: {  	v55 =	vbroadcast v15, $0x2;
	v7 =	vmul.f32 v44, v3;
	v10 =	vadd.f32 v34, v4;
	[tilespmem:s22+$0xFFFFFD10] =	vst v24  }
0x152: {  	v51 =	vmul.f32 v47, v3;
	v12 =	vadd.f32 v39, v4;
	[tilespmem:s22+$0xFFFFFC90] =	vst v22  }
0x153: {  	v38 =	vbroadcast v15, $0x8;
	v58 =	vmul.f32 v55, v2;
	v7 =	vadd.f32 v7, v5;
	[tilespmem:s22+$0x150] =	vst v10  }
0x154: {  	v54 =	vadd.f32 v51, v5;
	[tilespmem:s22+$0xD0] =	vst v12  }
0x155: {  	v43 =	vbroadcast v15, $0x7;
	v42 =	vmul.f32 v38, v2;
	v61 =	vadd.f32 v58, v4;
	[tilespmem:s22+$0xFFFFFF40] =	vst v7  }
0x156: {  	v59 =	vbroadcast v15, $0x1;
	v6 =	vmul.f32 v38, v3;
	v23 =	vadd.f32 v50, v11;
	[tilespmem:s22+$0xFFFFFEC0] =	vst v54  }
0x157: {  	v45 =	vmul.f32 v43, v2;
	v8 =	vadd.f32 v42, v4;
	[tilespmem:s22+$0xFFFFFD50] =	vst v61  }
0x158: {  	v62 =	vmul.f32 v59, v2;
	v6 =	vadd.f32 v6, v5;
	[tilespmem:s22+$0xFFFFFD90] =	vst v23  }
0x159: {  	v24 =	vmul.f32 v19, v9;
	v10 =	vadd.f32 v45, v4;
	[tilespmem:s22+$0x50] =	vst v8  }
0x15a: {  	v49 =	vbroadcast v15, $0x4;
	v11 =	vmul.f32 v43, v3;
	v63 =	vadd.f32 v62, v4;
	[tilespmem:s22+$0x40] =	vst v6  }
0x15b: {  	v53 =	vbroadcast v15, $0x3;
	v50 =	vmul.f32 v47, v2;
	v9 =	vadd.f32 v24, v13;
	[tilespmem:s22+$0xFFFFFFD0] =	vst v10  }
0x15c: {  	v52 =	vmul.f32 v49, v2;
	v48 =	vadd.f32 v11, v5;
	[tilespmem:s22+$0xFFFFFCD0] =	vst v63  }
0x15d: {  	v56 =	vmul.f32 v53, v2;
	v11 =	vadd.f32 v50, v4;
	[tilespmem:s22+$0xFFFFFCA0] =	vst v9  }
0x15e: {  	v57 =	vmul.f32 v53, v3;
	v8 =	vadd.f32 v52, v4;
	[tilespmem:s22+$0xFFFFFFC0] =	vst v48  }
0x15f: {  	v7 =	vmul.f32 v55, v3;
	v10 =	vadd.f32 v56, v4;
	[tilespmem:s22+$0xFFFFFED0] =	vst v11  }
0x160: {  	v46 =	vmul.f32 v44, v2;
	v2 =	vmul.f32 v14, v2;
	v60 =	vadd.f32 v57, v5;
	[tilespmem:s22+$0xFFFFFE50] =	vst v8  }
0x161: {  	v41 =	vmul.f32 v35, v3;
	v7 =	vadd.f32 v7, v5;
	[tilespmem:s22+$0xFFFFFDD0] =	vst v10  }
0x162: {  	v6 =	vmul.f32 v49, v3;
	v2 =	vadd.f32 v2, v4;
	[tilespmem:s22+$0xFFFFFDC0] =	vst v60  }
0x163: {  	v3 =	vmul.f32 v59, v3;
	v9 =	vadd.f32 v41, v5;
	[tilespmem:s22+$0xFFFFFD40] =	vst v7  }
0x164: {  	v6 =	vadd.f32 v6, v5;
	[tilespmem:s22+$0xFFFFFC50] =	vst v2  }
0x165: {  	v3 =	vadd.f32 v3, v5;
	[tilespmem:s22+$0xC0] =	vst v9  }
0x166: {  	v9 =	vadd.f32 v46, v4;
	[tilespmem:s22+$0xFFFFFE40] =	vst v6  }
0x167: {  	[tilespmem:s22+$0xFFFFFCC0] =	vst v3  }
0x168: {  	[tilespmem:s22+$0xFFFFFF50] =	vst v9  }
0x169: {  	_ =	swait.ge [sflag:s19], $0x1000  }
0x16a: {  	[sflag:s19] =	ssyncset.done $0x0  }
0x16b: {  	[sflag:s19] =	ssyncadd.s32 $0xFFFFF000  }
0x16c: {  	_ =	swait.ge [sflag:s19], $0x1000  }
0x16d: {  	[sflag:s19] =	ssyncset.done $0x0  }
0x16e: {  	[sflag:s19] =	ssyncadd.s32 $0xFFFFF000  }
0x16f: {  	_ =	swait.ge [sflag:s19], $0x1000  }
0x170: {  	[sflag:s19] =	ssyncset.done $0x0  }
0x171: {  	[sflag:s19] =	ssyncadd.s32 $0xFFFFF000  }
0x172: {  	_ =	swait.ge [sflag:s19], $0x1000  }
0x173: {  	[sflag:s19] =	ssyncset.done $0x0  }
0x174: {  	s23 =	simm.s32 $0x0;
	[sflag:s19] =	ssyncadd.s32 $0xFFFFF000  }
0x175: {  	v2 =	vld [tilespmem:s23+$0x940];
	_ =	sdelay $0x4  }
0x176: {  	v2 =	vadd.f32 v2, v1  }
0x177: {  	s22 =	simm.s32 $0x4950  }
0x178: {  	[tilespmem:s22+$0xFFFFFFF0] =	vst v2  }
0x179: {  	v2 =	vld [tilespmem:s23+$0x950];
	_ =	sdelay $0x4  }
0x17a: {  	v2 =	vadd.f32 v2, v0;
	_ =	sdelay $0x1  }
0x17b: {  	s24 =	simm.s32 $0x20;
	s23 =	simm.s32 $0x100;
	[tilespmem:s22+$0x0] =	vst v2  }
.LBB2_4:
0x17c: {  	p0 =	sne.s32 s23, $0xFF80;
	v2 =	vld [tilespmem:s24+$0x940];
	_ =	sdelay $0x4  }
0x17d: {  	v2 =	vadd.f32 v2, v1  }
0x17e: {  	s22 =	sadd.s32 $0x80, s22  }
0x17f: {  	[tilespmem:s22+$0xFFFFFFF0] =	vst v2  }
0x180: {  	v2 =	vld [tilespmem:s24+$0x950];
	_ =	sdelay $0x2  }
.Ltmp1:
0x181: {  	(pc) =	sbr.rel @p0 .LBB2_4-.Ltmp1, $3  }
0x182: {  	_ = 	snop  }
0x183: {  	v2 =	vadd.f32 v2, v0;
	_ =	sdelay $0x1  }
0x184: {  	s24 =	sshra.s32 s23, $0x2;
	s23 =	sadd.s32 $0x80, s23;
	[tilespmem:s22+$0x0] =	vst v2  }
0x185: {  	v2 =	vld [tilespmem:s24+$0x940];
	_ =	sdelay $0x4  }
0x186: {  	v1 =	vadd.f32 v2, v1  }
0x187: {  	s22 =	sadd.s32 $0x80, s22  }
0x188: {  	[tilespmem:s22+$0xFFFFFFF0] =	vst v1  }
0x189: {  	v1 =	vld [tilespmem:s24+$0x950];
	_ =	sdelay $0x4  }
0x18a: {  	s21 =	sadd.s32 $0x1, s21;
	v0 =	vadd.f32 v1, v0  }
0x18b: {  	p0 =	sne.s32 s21, s8  }
.Ltmp2:
0x18c: {  	[tilespmem:s22+$0x0] =	vst v0;
	(pc) =	sbr.rel @p0 .LBB2_1-.Ltmp2, $4  }
0x18d: {  	[hbm4b:s7+s3] =	stream.linear.scatter [tilespmem:s20], [sflag:$0x2], $0x10000, $0x38;
	[tilespmem:$0x14940] =	vst v63  }
0x18e: {  	_ =	swait.ge [sflag:s9], $0x10000  }
0x18f: {  	[sflag:s9] =	ssyncset.done $0x0  }
0x190: {  	[sflag:s9] =	ssyncadd.s32 $0xFFFF0000  }
0x191: {  	_ =	sfence.sel $0x180000  }
0x192: {  	[bflag:$0x0] =	sbarrier.arrive $0xFFFF  }
0x193: {  	p0 =	sne.s32 s1, $0x0;
	_ =	strace $0x90000047  }
0x194: {  	s0 =	sadd.s32 @!p0 $0x100000, s0;
	[bflag:$0x2] =	sbarrier.arrive $0xFFFF  }
0x195: {  	[sflag:s0] =	ssyncadd.tile.s32 @!p0 $0x1;
	_ =	shalt  }
.Lfunc_end2:
_tile_overlayer_lowered:
.L_overlay_start_2:
0x196: {  	(tag) =	ssettag $0x2  }
0x197: {  	s0 =	rddreg [dreg:$0x0];
	s2 =	stileid.u32  }
0x198: {  	s1 =	rddreg [dreg:$0x1];
	p0 =	sne.s32 s2, $0x0  }
0x199: {  	s3 =	rddreg [dreg:$0x2];
	[bflag:$0x3] =	sbarrier.arrive $0xFFFF;
	s2 =	simm.s32 @!p0 $0x1C02  }
0x19a: {  	[timem:s3], [sflag:s2] =	dma.local @!p0 [hbm:s0], s1  }
0x19b: {  	s0 =	simm.s32 @!p0 $0x2  }
0x19c: {  	_ =	swait.ge @!p0 [sflag:s0], s1  }
0x19d: {  	s1 =	ssub.s32 @!p0 $0x0, s1;
	[sflag:s0] =	ssyncset.done @!p0 $0x0  }
0x19e: {  	[sflag:s0] =	ssyncadd.s32 @!p0 s1  }
0x19f: {  	[bflag:$0x3] =	sbarrier.arrive $0xFFFF  }
0x1a0: {  	_ =	shalt  }

</sc_bundles>
